<compile_context>
chip_gen: v7x
topology: tpu7x:2x2x1
jax: 0.10.2.dev20260603
libtpu: 0.0.44.dev20260713+nightly
codegen_flags: <defaults>
</compile_context>

<pallas_src>
import dataclasses
import functools

import jax
import jax.numpy as jnp
from jax.experimental import pallas as pl
from jax.experimental.pallas import tpu as pltpu
from jax.experimental.pallas import tpu_sc as plsc

_C = 10
_LANES = 16
_RB = 8


def kernel(mask):
    B, _, H, W = mask.shape

    mesh = plsc.VectorSubcoreMesh(core_axis_name="core",
                                  subcore_axis_name="subcore")
    cp = pltpu.CompilerParams(use_tc_tiling_on_sc=True)
    if "needs_layout_passes" in pltpu.CompilerParams.__dataclass_fields__:
        cp = dataclasses.replace(cp, needs_layout_passes=False)

    @functools.partial(
        pl.kernel,
        out_type=jax.ShapeDtypeStruct((B, _C, H, W), jnp.int32),
        mesh=mesh,
        compiler_params=cp,
    )
    def run(m_hbm, o_hbm):
        def body(m_vmem, o_vmem):
            @pl.loop(0, _RB)
            def _(r):
                @pl.loop(0, W, step=_LANES)
                def _(j):
                    v = m_vmem[0, 0, r, pl.ds(j, _LANES)]
                    for c in range(_C):
                        o_vmem[0, c, r, pl.ds(j, _LANES)] = (
                            v == c).astype(jnp.int32)

        pltpu.emit_pipeline(
            body,
            grid=(B, H // _RB),
            in_specs=[pl.BlockSpec((1, 1, _RB, W), lambda b, i: (b, 0, i, 0))],
            out_specs=[pl.BlockSpec((1, _C, _RB, W),
                                    lambda b, i: (b, 0, i, 0))],
            core_axis_name=("core", "subcore"),
            dimension_semantics=(pltpu.PARALLEL, pltpu.PARALLEL),
        )(m_hbm, o_hbm)

    return run(mask)

# --- scband reference (transcript-rebuilt; emitter-appended) ---
"""Pipeline reference for scband-one-hot-encode-56444460204093 (READ-ONLY COPY).

The authoritative reference and input builder live on the scoring server;
editing this copy changes nothing except your own understanding.
"""

import jax, jax.numpy as jnp
import numpy as np

CLASSES = {f"class_{i}": i for i in range(10)}


def setup_inputs(seed: int = 0) -> dict:
    key = jax.random.key(seed)
    # mask: classification raster [B, 1, H, W] with class ids in [0, 10)
    mask = jax.random.randint(key, (16, 1, 512, 512), 0, 10, dtype=jnp.int32)
    return {"mask": mask}


def reference(mask):
    # Faithful translation of OneHotEncode.forward, operating on the 'mask' entry
    # of the inputs dict (the only tensor the module touches).
    classes = CLASSES
    x_shape = mask.shape
    mask = mask - min(classes.values())
    # reshape drops the singleton channel dim: (B, H, W)
    input_mask = jnp.reshape(mask, (x_shape[0], x_shape[2], x_shape[3]))
    # F.one_hot -> [B, H, W, C]
    encodings = jax.nn.one_hot(input_mask.astype(jnp.int32), len(classes), dtype=jnp.int32)
    # the torch loop new_mask[:, band_idx, :, :] = encodings[:, :, :, band_idx]
    # is exactly a transpose to channel-first layout
    new_mask = jnp.transpose(encodings, (0, 3, 1, 2))
    return new_mask.astype(jnp.int32)

if __name__ == "__main__":
    import jax
    _d = setup_inputs()
    print(jax.jit(kernel)(*tuple(_d.values())))

</pallas_src>

<mosaic_0001>
#map = affine_map<(d0, d1) -> (0, 0, 0, 0)>
module attributes {stable_mosaic.version = 14 : i64} {
  func.func @run(%arg0: i32, %arg1: i32, %arg2: memref<16x1x512x512xi32, #tpu.memory_space<hbm>>, %arg3: memref<16x10x512x512xi32, #tpu.memory_space<hbm>>) attributes {dimension_semantics = [#tpu.dimension_semantics<core_parallel>, #tpu.dimension_semantics<subcore_parallel>], iteration_bounds = array<i64: 2, 16>, scalar_prefetch = 0 : i64, scratch_operands = 0 : i64, tpu.core_type = #tpu.core_type<sc_vector_subcore>, window_params = [{transform_indices = #map}, {transform_indices = #map}]} {
    %mul3A = arith.constant 1 : i32
    %mul3A_0 = arith.muli %arg1, %mul3A : i32
    %add3A = arith.constant 0 : i32
    %add3A_1 = arith.addi %add3A, %mul3A_0 : i32
    %mul3A_2 = arith.constant 16 : i32
    %mul3A_3 = arith.muli %arg0, %mul3A_2 : i32
    %add3A_4 = arith.addi %add3A_1, %mul3A_3 : i32
    %mul3A_5 = arith.constant 2 : i32
    %mul3A_6 = arith.muli %add3A_4, %mul3A_5 : i32
    "tpu.region"() ({
      %run_scoped3A = memref.alloca() : memref<2x1x1x8x512xi32, #tpu.memory_space<vmem>>
      %run_scoped3A_7 = tpu.sem_alloc : memref<2x!tpu.dma_semaphore, #tpu.memory_space<semaphore_mem>>
      %run_scoped3A_8 = memref.alloca() : memref<2x1x10x8x512xi32, #tpu.memory_space<vmem>>
      %run_scoped3A_9 = tpu.sem_alloc : memref<2x!tpu.dma_semaphore, #tpu.memory_space<semaphore_mem>>
      %add3A_10 = arith.constant 0 : i32
      %add3A_11 = arith.addi %add3A_10, %mul3A_6 : i32
      %select_n3A = arith.constant true
      %select_n3A_12 = arith.constant 0 : i32
      %select_n3A_13 = arith.constant -1 : i32
      %select_n3A_14 = arith.select %select_n3A, %select_n3A_13, %select_n3A_12 : i32
      %eq3A = arith.constant -1 : i32
      %eq3A_15 = arith.cmpi eq, %select_n3A_14, %eq3A : i32
      %select_n3A_16 = arith.constant 1 : i32
      %select_n3A_17 = arith.select %eq3A_15, %select_n3A_16, %select_n3A_14 : i32
      %select_n3A_18 = arith.constant 0 : i32
      %select_n3A_19 = arith.constant -1 : i32
      %select_n3A_20 = arith.select %eq3A_15, %select_n3A_19, %select_n3A_18 : i32
      %eq3A_21 = arith.constant -1 : i32
      %eq3A_22 = arith.cmpi eq, %select_n3A_20, %eq3A_21 : i32
      %select_n3A_23 = arith.constant 15 : i32
      %select_n3A_24 = arith.select %eq3A_22, %select_n3A_23, %select_n3A_20 : i32
      %add3A_25 = arith.constant 0 : i32
      %add3A_26 = arith.addi %select_n3A_24, %add3A_25 : i32
      %add3A_27 = arith.addi %select_n3A_17, %mul3A_6 : i32
      %select_n3A_28 = arith.constant true
      %select_n3A_29 = arith.constant 0 : i32
      %select_n3A_30 = arith.constant 1 : i32
      %select_n3A_31 = arith.select %select_n3A_28, %select_n3A_30, %select_n3A_29 : i32
      %eq3A_32 = arith.constant 2 : i32
      %eq3A_33 = arith.cmpi eq, %select_n3A_31, %eq3A_32 : i32
      %select_n3A_34 = arith.constant 0 : i32
      %select_n3A_35 = arith.select %eq3A_33, %select_n3A_34, %select_n3A_31 : i32
      %select_n3A_36 = arith.constant 0 : i32
      %select_n3A_37 = arith.constant 1 : i32
      %select_n3A_38 = arith.select %eq3A_33, %select_n3A_37, %select_n3A_36 : i32
      %eq3A_39 = arith.constant 16 : i32
      %eq3A_40 = arith.cmpi eq, %select_n3A_38, %eq3A_39 : i32
      %select_n3A_41 = arith.constant 0 : i32
      %select_n3A_42 = arith.select %eq3A_40, %select_n3A_41, %select_n3A_38 : i32
      %add3A_43 = arith.constant 0 : i32
      %add3A_44 = arith.addi %select_n3A_42, %add3A_43 : i32
      %add3A_45 = arith.addi %select_n3A_35, %mul3A_6 : i32
      %add3A_46 = arith.constant 1 : i32
      %add3A_47 = arith.addi %select_n3A_35, %add3A_46 : i32
      %select_n3A_48 = arith.constant true
      %select_n3A_49 = arith.select %select_n3A_48, %add3A_47, %select_n3A_35 : i32
      %eq3A_50 = arith.constant 2 : i32
      %eq3A_51 = arith.cmpi eq, %select_n3A_49, %eq3A_50 : i32
      %select_n3A_52 = arith.constant 0 : i32
      %select_n3A_53 = arith.select %eq3A_51, %select_n3A_52, %select_n3A_49 : i32
      %add3A_54 = arith.constant 1 : i32
      %add3A_55 = arith.addi %select_n3A_42, %add3A_54 : i32
      %select_n3A_56 = arith.select %eq3A_51, %add3A_55, %select_n3A_42 : i32
      %eq3A_57 = arith.constant 16 : i32
      %eq3A_58 = arith.cmpi eq, %select_n3A_56, %eq3A_57 : i32
      %select_n3A_59 = arith.constant 0 : i32
      %select_n3A_60 = arith.select %eq3A_58, %select_n3A_59, %select_n3A_56 : i32
      %add3A_61 = arith.constant 0 : i32
      %add3A_62 = arith.addi %select_n3A_60, %add3A_61 : i32
      %add3A_63 = arith.addi %select_n3A_53, %mul3A_6 : i32
      "tpu.trace_start"() <{level = 10 : i32, message = "ep_initialize_0"}> : () -> ()
      %rem3A = arith.constant 0 : i32
      %rem3A_64 = arith.constant 2 : i32
      %rem3A_65 = arith.remui %rem3A, %rem3A_64 : i32
      %mul3A_66 = arith.constant 8 : i32
      %mul3A_67 = arith.muli %mul3A_66, %add3A_11 : i32
      %dma_start3A = arith.constant 0 : i32
      %dma_start3A_68 = arith.constant 0 : i32
      %dma_start3A_69 = arith.constant 0 : i32
      %dma_start3A_70 = arith.constant 0 : i32
      %dma_start3A_71 = tpu.memref_slice %run_scoped3A[%rem3A_65, %dma_start3A, %dma_start3A_68, %dma_start3A_69, %dma_start3A_70] : memref<2x1x1x8x512xi32, #tpu.memory_space<vmem>> -> memref<1x1x1x8x512xi32, #tpu.memory_space<vmem>>
      %dma_start3A_72 = tpu.memref_squeeze %dma_start3A_71 : memref<1x1x1x8x512xi32, #tpu.memory_space<vmem>> -> memref<1x1x8x512xi32, #tpu.memory_space<vmem>>
      %dma_start3A_73 = arith.constant 0 : i32
      %dma_start3A_74 = arith.constant 0 : i32
      %dma_start3A_75 = arith.constant 0 : i32
      %dma_start3A_76 = tpu.memref_slice %arg2[%dma_start3A_73, %dma_start3A_74, %mul3A_67, %dma_start3A_75] : memref<16x1x512x512xi32, #tpu.memory_space<hbm>> -> memref<1x1x8x512xi32, #tpu.memory_space<hbm>>
      %dma_start3A_77 = tpu.memref_slice %run_scoped3A_7[%rem3A_65] : memref<2x!tpu.dma_semaphore, #tpu.memory_space<semaphore_mem>> -> memref<1x!tpu.dma_semaphore, #tpu.memory_space<semaphore_mem>>
      %dma_start3A_78 = tpu.memref_squeeze %dma_start3A_77 : memref<1x!tpu.dma_semaphore, #tpu.memory_space<semaphore_mem>> -> memref<!tpu.dma_semaphore, #tpu.memory_space<semaphore_mem>>
      %dma_start3A_79 = arith.constant 0 : i32
      %dma_start3A_80 = arith.constant 0 : i32
      %dma_start3A_81 = arith.constant 0 : i32
      %dma_start3A_82 = arith.constant 0 : i32
      %dma_start3A_83 = tpu.memref_slice %run_scoped3A[%rem3A_65, %dma_start3A_79, %dma_start3A_80, %dma_start3A_81, %dma_start3A_82] : memref<2x1x1x8x512xi32, #tpu.memory_space<vmem>> -> memref<1x1x1x8x512xi32, #tpu.memory_space<vmem>>
      %dma_start3A_84 = tpu.memref_squeeze %dma_start3A_83 : memref<1x1x1x8x512xi32, #tpu.memory_space<vmem>> -> memref<1x1x8x512xi32, #tpu.memory_space<vmem>>
      %dma_start3A_85 = arith.constant 0 : i32
      %dma_start3A_86 = arith.constant 0 : i32
      %dma_start3A_87 = arith.constant 0 : i32
      %dma_start3A_88 = tpu.memref_slice %arg2[%dma_start3A_85, %dma_start3A_86, %mul3A_67, %dma_start3A_87] : memref<16x1x512x512xi32, #tpu.memory_space<hbm>> -> memref<1x1x8x512xi32, #tpu.memory_space<hbm>>
      tpu.enqueue_dma source(%dma_start3A_88 : memref<1x1x8x512xi32, #tpu.memory_space<hbm>>) target(%dma_start3A_84 : memref<1x1x8x512xi32, #tpu.memory_space<vmem>>) target_semaphore(%dma_start3A_78 : memref<!tpu.dma_semaphore, #tpu.memory_space<semaphore_mem>>)
      %add3A_89 = arith.constant 0 : i32
      %add3A_90 = arith.constant 1 : i32
      %add3A_91 = arith.addi %add3A_89, %add3A_90 : i32
      %select_n3A_92 = arith.constant true
      %select_n3A_93 = arith.constant 0 : i32
      %select_n3A_94 = arith.select %select_n3A_92, %add3A_91, %select_n3A_93 : i32
      "tpu.trace_stop"() : () -> ()
      %scan3A = arith.constant 0 : i32
      %scan3A_95 = arith.constant 0 : i32
      %scan3A_96 = arith.constant 0 : i32
      %scan3A_97 = arith.constant 0 : i32
      %scan3A_98 = arith.constant 0 : i32
      %scan3A_99 = arith.constant 0 : i32
      %scan3A_100 = arith.constant 32 : i32
      %scan3A_101 = arith.addi %scan3A_99, %scan3A_100 : i32
      %scan3A_102 = arith.constant 1 : i32
      %scan3A_103:6 = scf.for %scan3A_201 = %scan3A_99 to %scan3A_101 step %scan3A_102 iter_args(%scan3A_202 = %select_n3A_94, %scan3A_203 = %scan3A, %scan3A_204 = %scan3A_95, %scan3A_205 = %scan3A_96, %scan3A_206 = %scan3A_97, %scan3A_207 = %scan3A_98) -> (i32, i32, i32, i32, i32, i32)  : i32 {
        %eq3A_208 = arith.constant 0 : i32
        %eq3A_209 = arith.cmpi eq, %scan3A_201, %eq3A_208 : i32
        %eq3A_210 = arith.constant 31 : i32
        %eq3A_211 = arith.cmpi eq, %scan3A_201, %eq3A_210 : i32
        %add3A_212 = arith.constant 0 : i32
        %add3A_213 = arith.addi %scan3A_206, %add3A_212 : i32
        %add3A_214 = arith.addi %scan3A_207, %mul3A_6 : i32
        %sub3A_215 = arith.constant 1 : i32
        %sub3A_216 = arith.subi %scan3A_207, %sub3A_215 : i32
        %select_n3A_217 = arith.constant true
        %select_n3A_218 = arith.select %select_n3A_217, %sub3A_216, %scan3A_207 : i32
        %eq3A_219 = arith.constant -1 : i32
        %eq3A_220 = arith.cmpi eq, %select_n3A_218, %eq3A_219 : i32
        %select_n3A_221 = arith.constant 1 : i32
        %select_n3A_222 = arith.select %eq3A_220, %select_n3A_221, %select_n3A_218 : i32
        %sub3A_223 = arith.constant 1 : i32
        %sub3A_224 = arith.subi %scan3A_206, %sub3A_223 : i32
        %select_n3A_225 = arith.select %eq3A_220, %sub3A_224, %scan3A_206 : i32
        %eq3A_226 = arith.constant -1 : i32
        %eq3A_227 = arith.cmpi eq, %select_n3A_225, %eq3A_226 : i32
        %select_n3A_228 = arith.constant 15 : i32
        %select_n3A_229 = arith.select %eq3A_227, %select_n3A_228, %select_n3A_225 : i32
        %add3A_230 = arith.constant 0 : i32
        %add3A_231 = arith.addi %select_n3A_229, %add3A_230 : i32
        %add3A_232 = arith.addi %select_n3A_222, %mul3A_6 : i32
        %add3A_233 = arith.constant 1 : i32
        %add3A_234 = arith.addi %scan3A_207, %add3A_233 : i32
        %select_n3A_235 = arith.constant true
        %select_n3A_236 = arith.select %select_n3A_235, %add3A_234, %scan3A_207 : i32
        %eq3A_237 = arith.constant 2 : i32
        %eq3A_238 = arith.cmpi eq, %select_n3A_236, %eq3A_237 : i32
        %select_n3A_239 = arith.constant 0 : i32
        %select_n3A_240 = arith.select %eq3A_238, %select_n3A_239, %select_n3A_236 : i32
        %add3A_241 = arith.constant 1 : i32
        %add3A_242 = arith.addi %scan3A_206, %add3A_241 : i32
        %select_n3A_243 = arith.select %eq3A_238, %add3A_242, %scan3A_206 : i32
        %eq3A_244 = arith.constant 16 : i32
        %eq3A_245 = arith.cmpi eq, %select_n3A_243, %eq3A_244 : i32
        %select_n3A_246 = arith.constant 0 : i32
        %select_n3A_247 = arith.select %eq3A_245, %select_n3A_246, %select_n3A_243 : i32
        %add3A_248 = arith.constant 0 : i32
        %add3A_249 = arith.addi %select_n3A_247, %add3A_248 : i32
        %add3A_250 = arith.addi %select_n3A_240, %mul3A_6 : i32
        %add3A_251 = arith.constant 1 : i32
        %add3A_252 = arith.addi %select_n3A_240, %add3A_251 : i32
        %select_n3A_253 = arith.constant true
        %select_n3A_254 = arith.select %select_n3A_253, %add3A_252, %select_n3A_240 : i32
        %eq3A_255 = arith.constant 2 : i32
        %eq3A_256 = arith.cmpi eq, %select_n3A_254, %eq3A_255 : i32
        %select_n3A_257 = arith.constant 0 : i32
        %select_n3A_258 = arith.select %eq3A_256, %select_n3A_257, %select_n3A_254 : i32
        %add3A_259 = arith.constant 1 : i32
        %add3A_260 = arith.addi %select_n3A_247, %add3A_259 : i32
        %select_n3A_261 = arith.select %eq3A_256, %add3A_260, %select_n3A_247 : i32
        %eq3A_262 = arith.constant 16 : i32
        %eq3A_263 = arith.cmpi eq, %select_n3A_261, %eq3A_262 : i32
        %select_n3A_264 = arith.constant 0 : i32
        %select_n3A_265 = arith.select %eq3A_263, %select_n3A_264, %select_n3A_261 : i32
        %add3A_266 = arith.constant 0 : i32
        %add3A_267 = arith.addi %select_n3A_265, %add3A_266 : i32
        %add3A_268 = arith.addi %select_n3A_258, %mul3A_6 : i32
        %ne3A = arith.cmpi ne, %add3A_213, %add3A_249 : i32
        %ne3A_269 = arith.cmpi ne, %add3A_214, %add3A_250 : i32
        %or3A = arith.constant false
        %or3A_270 = arith.ori %or3A, %ne3A : i1
        %or3A_271 = arith.constant false
        %or3A_272 = arith.ori %or3A_270, %or3A_271 : i1
        %or3A_273 = arith.ori %or3A_272, %ne3A_269 : i1
        %or3A_274 = arith.constant false
        %or3A_275 = arith.ori %or3A_273, %or3A_274 : i1
        %ge3A = arith.constant 31 : i32
        %ge3A_276 = arith.cmpi sge, %scan3A_201, %ge3A : i32
        %not3A = arith.constant true
        %not3A_277 = arith.xori %ge3A_276, %not3A : i1
        %and3A = arith.andi %or3A_275, %not3A_277 : i1
        %convert_element_type3A = arith.extui %and3A : i1 to i32
        %cond3A = arith.constant 0 : i32
        %cond3A_278 = arith.cmpi ne, %convert_element_type3A, %cond3A : i32
        scf.if %cond3A_278 {
          "tpu.trace_start"() <{level = 10 : i32, message = "ep_copy_in"}> : () -> ()
          %rem3A_431 = arith.constant 2 : i32
          %rem3A_432 = arith.remui %scan3A_202, %rem3A_431 : i32
          %mul3A_433 = arith.constant 1 : i32
          %mul3A_434 = arith.muli %mul3A_433, %add3A_249 : i32
          %mul3A_435 = arith.constant 8 : i32
          %mul3A_436 = arith.muli %mul3A_435, %add3A_250 : i32
          %dma_start3A_437 = arith.constant 0 : i32
          %dma_start3A_438 = arith.constant 0 : i32
          %dma_start3A_439 = arith.constant 0 : i32
          %dma_start3A_440 = arith.constant 0 : i32
          %dma_start3A_441 = tpu.memref_slice %run_scoped3A[%rem3A_432, %dma_start3A_437, %dma_start3A_438, %dma_start3A_439, %dma_start3A_440] : memref<2x1x1x8x512xi32, #tpu.memory_space<vmem>> -> memref<1x1x1x8x512xi32, #tpu.memory_space<vmem>>
          %dma_start3A_442 = tpu.memref_squeeze %dma_start3A_441 : memref<1x1x1x8x512xi32, #tpu.memory_space<vmem>> -> memref<1x1x8x512xi32, #tpu.memory_space<vmem>>
          %dma_start3A_443 = arith.constant 0 : i32
          %dma_start3A_444 = arith.constant 0 : i32
          %dma_start3A_445 = tpu.memref_slice %arg2[%mul3A_434, %dma_start3A_443, %mul3A_436, %dma_start3A_444] : memref<16x1x512x512xi32, #tpu.memory_space<hbm>> -> memref<1x1x8x512xi32, #tpu.memory_space<hbm>>
          %dma_start3A_446 = tpu.memref_slice %run_scoped3A_7[%rem3A_432] : memref<2x!tpu.dma_semaphore, #tpu.memory_space<semaphore_mem>> -> memref<1x!tpu.dma_semaphore, #tpu.memory_space<semaphore_mem>>
          %dma_start3A_447 = tpu.memref_squeeze %dma_start3A_446 : memref<1x!tpu.dma_semaphore, #tpu.memory_space<semaphore_mem>> -> memref<!tpu.dma_semaphore, #tpu.memory_space<semaphore_mem>>
          %dma_start3A_448 = arith.constant 0 : i32
          %dma_start3A_449 = arith.constant 0 : i32
          %dma_start3A_450 = arith.constant 0 : i32
          %dma_start3A_451 = arith.constant 0 : i32
          %dma_start3A_452 = tpu.memref_slice %run_scoped3A[%rem3A_432, %dma_start3A_448, %dma_start3A_449, %dma_start3A_450, %dma_start3A_451] : memref<2x1x1x8x512xi32, #tpu.memory_space<vmem>> -> memref<1x1x1x8x512xi32, #tpu.memory_space<vmem>>
          %dma_start3A_453 = tpu.memref_squeeze %dma_start3A_452 : memref<1x1x1x8x512xi32, #tpu.memory_space<vmem>> -> memref<1x1x8x512xi32, #tpu.memory_space<vmem>>
          %dma_start3A_454 = arith.constant 0 : i32
          %dma_start3A_455 = arith.constant 0 : i32
          %dma_start3A_456 = tpu.memref_slice %arg2[%mul3A_434, %dma_start3A_454, %mul3A_436, %dma_start3A_455] : memref<16x1x512x512xi32, #tpu.memory_space<hbm>> -> memref<1x1x8x512xi32, #tpu.memory_space<hbm>>
          tpu.enqueue_dma source(%dma_start3A_456 : memref<1x1x8x512xi32, #tpu.memory_space<hbm>>) target(%dma_start3A_453 : memref<1x1x8x512xi32, #tpu.memory_space<vmem>>) target_semaphore(%dma_start3A_447 : memref<!tpu.dma_semaphore, #tpu.memory_space<semaphore_mem>>)
          "tpu.trace_stop"() : () -> ()
        } else {
        }
        %and3A_279 = arith.constant true
        %and3A_280 = arith.andi %and3A, %and3A_279 : i1
        %add3A_281 = arith.constant 1 : i32
        %add3A_282 = arith.addi %scan3A_202, %add3A_281 : i32
        %select_n3A_283 = arith.select %and3A_280, %add3A_282, %scan3A_202 : i32
        %ne3A_284 = arith.cmpi ne, %add3A_213, %add3A_249 : i32
        %ne3A_285 = arith.cmpi ne, %add3A_214, %add3A_250 : i32
        %or3A_286 = arith.constant false
        %or3A_287 = arith.ori %or3A_286, %ne3A_284 : i1
        %or3A_288 = arith.constant false
        %or3A_289 = arith.ori %or3A_287, %or3A_288 : i1
        %or3A_290 = arith.ori %or3A_289, %ne3A_285 : i1
        %or3A_291 = arith.constant false
        %or3A_292 = arith.ori %or3A_290, %or3A_291 : i1
        %ge3A_293 = arith.constant 31 : i32
        %ge3A_294 = arith.cmpi sge, %scan3A_201, %ge3A_293 : i32
        %not3A_295 = arith.constant true
        %not3A_296 = arith.xori %ge3A_294, %not3A_295 : i1
        %and3A_297 = arith.andi %or3A_292, %not3A_296 : i1
        %ne3A_298 = arith.cmpi ne, %add3A_213, %add3A_231 : i32
        %ne3A_299 = arith.cmpi ne, %add3A_214, %add3A_232 : i32
        %or3A_300 = arith.constant false
        %or3A_301 = arith.ori %or3A_300, %ne3A_298 : i1
        %or3A_302 = arith.constant false
        %or3A_303 = arith.ori %or3A_301, %or3A_302 : i1
        %or3A_304 = arith.ori %or3A_303, %ne3A_299 : i1
        %or3A_305 = arith.constant false
        %or3A_306 = arith.ori %or3A_304, %or3A_305 : i1
        %or3A_307 = arith.ori %or3A_306, %eq3A_209 : i1
        %convert_element_type3A_308 = arith.extui %or3A_307 : i1 to i32
        %cond3A_309 = arith.constant 0 : i32
        %cond3A_310 = arith.cmpi ne, %convert_element_type3A_308, %cond3A_309 : i32
        scf.if %cond3A_310 {
          "tpu.trace_start"() <{level = 10 : i32, message = "ep_wait_in"}> : () -> ()
          %mul3A_431 = arith.constant 1 : i32
          %mul3A_432 = arith.muli %mul3A_431, %add3A_213 : i32
          %mul3A_433 = arith.constant 8 : i32
          %mul3A_434 = arith.muli %mul3A_433, %add3A_214 : i32
          %rem3A_435 = arith.constant 2 : i32
          %rem3A_436 = arith.remui %scan3A_203, %rem3A_435 : i32
          %dma_wait3A_437 = arith.constant 0 : i32
          %dma_wait3A_438 = arith.constant 0 : i32
          %dma_wait3A_439 = arith.constant 0 : i32
          %dma_wait3A_440 = arith.constant 0 : i32
          %dma_wait3A_441 = tpu.memref_slice %run_scoped3A[%rem3A_436, %dma_wait3A_437, %dma_wait3A_438, %dma_wait3A_439, %dma_wait3A_440] : memref<2x1x1x8x512xi32, #tpu.memory_space<vmem>> -> memref<1x1x1x8x512xi32, #tpu.memory_space<vmem>>
          %dma_wait3A_442 = tpu.memref_squeeze %dma_wait3A_441 : memref<1x1x1x8x512xi32, #tpu.memory_space<vmem>> -> memref<1x1x8x512xi32, #tpu.memory_space<vmem>>
          %dma_wait3A_443 = arith.constant 0 : i32
          %dma_wait3A_444 = arith.constant 0 : i32
          %dma_wait3A_445 = tpu.memref_slice %arg2[%mul3A_432, %dma_wait3A_443, %mul3A_434, %dma_wait3A_444] : memref<16x1x512x512xi32, #tpu.memory_space<hbm>> -> memref<1x1x8x512xi32, #tpu.memory_space<hbm>>
          %dma_wait3A_446 = tpu.memref_slice %run_scoped3A_7[%rem3A_436] : memref<2x!tpu.dma_semaphore, #tpu.memory_space<semaphore_mem>> -> memref<1x!tpu.dma_semaphore, #tpu.memory_space<semaphore_mem>>
          %dma_wait3A_447 = tpu.memref_squeeze %dma_wait3A_446 : memref<1x!tpu.dma_semaphore, #tpu.memory_space<semaphore_mem>> -> memref<!tpu.dma_semaphore, #tpu.memory_space<semaphore_mem>>
          %dma_wait3A_448 = arith.constant 0 : i32
          %dma_wait3A_449 = arith.constant 0 : i32
          %dma_wait3A_450 = arith.constant 0 : i32
          %dma_wait3A_451 = arith.constant 0 : i32
          %dma_wait3A_452 = tpu.memref_slice %run_scoped3A[%rem3A_436, %dma_wait3A_448, %dma_wait3A_449, %dma_wait3A_450, %dma_wait3A_451] : memref<2x1x1x8x512xi32, #tpu.memory_space<vmem>> -> memref<1x1x1x8x512xi32, #tpu.memory_space<vmem>>
          %dma_wait3A_453 = tpu.memref_squeeze %dma_wait3A_452 : memref<1x1x1x8x512xi32, #tpu.memory_space<vmem>> -> memref<1x1x8x512xi32, #tpu.memory_space<vmem>>
          %dma_wait3A_454 = arith.constant 0 : i32
          %dma_wait3A_455 = arith.constant 0 : i32
          %dma_wait3A_456 = tpu.memref_slice %arg2[%mul3A_432, %dma_wait3A_454, %mul3A_434, %dma_wait3A_455] : memref<16x1x512x512xi32, #tpu.memory_space<hbm>> -> memref<1x1x8x512xi32, #tpu.memory_space<hbm>>
          tpu.wait_dma2 semaphore(%dma_wait3A_447 : memref<!tpu.dma_semaphore, #tpu.memory_space<semaphore_mem>>) src(%dma_wait3A_456 : memref<1x1x8x512xi32, #tpu.memory_space<hbm>>) dst(%dma_wait3A_453 : memref<1x1x8x512xi32, #tpu.memory_space<vmem>>)
          "tpu.trace_stop"() : () -> ()
        } else {
        }
        %ne3A_311 = arith.cmpi ne, %add3A_213, %add3A_231 : i32
        %ne3A_312 = arith.cmpi ne, %add3A_214, %add3A_232 : i32
        %or3A_313 = arith.constant false
        %or3A_314 = arith.ori %or3A_313, %ne3A_311 : i1
        %or3A_315 = arith.constant false
        %or3A_316 = arith.ori %or3A_314, %or3A_315 : i1
        %or3A_317 = arith.ori %or3A_316, %ne3A_312 : i1
        %or3A_318 = arith.constant false
        %or3A_319 = arith.ori %or3A_317, %or3A_318 : i1
        %or3A_320 = arith.ori %or3A_319, %eq3A_209 : i1
        %convert_element_type3A_321 = arith.extui %or3A_320 : i1 to i32
        %cond3A_322 = arith.constant 0 : i32
        %cond3A_323 = arith.cmpi ne, %convert_element_type3A_321, %cond3A_322 : i32
        scf.if %cond3A_323 {
        } else {
        }
        %rem3A_324 = arith.constant 2 : i32
        %rem3A_325 = arith.remui %scan3A_203, %rem3A_324 : i32
        %rem3A_326 = arith.constant 2 : i32
        %rem3A_327 = arith.remui %scan3A_204, %rem3A_326 : i32
        "tpu.trace_start"() <{level = 10 : i32, message = "ep_run_kernel"}> : () -> ()
        %scan3A_328 = arith.constant 0 : i32
        %scan3A_329 = arith.constant 8 : i32
        %scan3A_330 = arith.addi %scan3A_328, %scan3A_329 : i32
        %scan3A_331 = arith.constant 1 : i32
        scf.for %scan3A_431 = %scan3A_328 to %scan3A_330 step %scan3A_331  : i32 {
          %mul3A_432 = arith.constant 1 : i32
          %mul3A_433 = arith.muli %scan3A_431, %mul3A_432 : i32
          %add3A_434 = arith.constant 0 : i32
          %add3A_435 = arith.addi %add3A_434, %mul3A_433 : i32
          %scan3A_436 = arith.constant 0 : i32
          %scan3A_437 = arith.constant 32 : i32
          %scan3A_438 = arith.addi %scan3A_436, %scan3A_437 : i32
          %scan3A_439 = arith.constant 1 : i32
          scf.for %scan3A_441 = %scan3A_436 to %scan3A_438 step %scan3A_439  : i32 {
            %mul3A_442 = arith.constant 16 : i32
            %mul3A_443 = arith.muli %scan3A_441, %mul3A_442 : i32
            %add3A_444 = arith.constant 0 : i32
            %add3A_445 = arith.addi %add3A_444, %mul3A_443 : i32
            %get3A = arith.constant 0 : i32
            %get3A_446 = arith.constant 0 : i32
            %get3A_447 = arith.constant 0 : i32
            %get3A_448 = arith.constant 0 : i32
            %get3A_449 = arith.constant 0 : i32
            %get3A_450 = arith.constant 0 : i32
            %get3A_451 = tpu.memref_slice %run_scoped3A[%rem3A_325, %get3A_447, %get3A_448, %get3A_449, %get3A_450] : memref<2x1x1x8x512xi32, #tpu.memory_space<vmem>> -> memref<1x1x1x8x512xi32, #tpu.memory_space<vmem>>
            %get3A_452 = tpu.memref_squeeze %get3A_451 : memref<1x1x1x8x512xi32, #tpu.memory_space<vmem>> -> memref<1x1x8x512xi32, #tpu.memory_space<vmem>>
            %get3A_453 = arith.index_cast %get3A : i32 to index
            %get3A_454 = arith.index_cast %get3A_446 : i32 to index
            %get3A_455 = arith.index_cast %add3A_435 : i32 to index
            %get3A_456 = arith.index_cast %add3A_445 : i32 to index
            %get3A_457 = tpu.vector_load %get3A_452[%get3A_453, %get3A_454, %get3A_455, %get3A_456] {strides = array<i32>} : memref<1x1x8x512xi32, #tpu.memory_space<vmem>>, vector<16xi32>,
            %eq3A_458 = arith.constant 0 : i32
            %eq3A_459 = vector.broadcast %eq3A_458 : i32 to vector<16xi32>
            %eq3A_460 = arith.cmpi eq, %get3A_457, %eq3A_459 : vector<16xi32>
            %convert_element_type3A_461 = arith.extui %eq3A_460 : vector<16xi1> to vector<16xi32>
            %swap3A = arith.constant 0 : i32
            %swap3A_462 = arith.constant 0 : i32
            %swap3A_463 = arith.constant 0 : i32
            %swap3A_464 = arith.constant 0 : i32
            %swap3A_465 = arith.constant 0 : i32
            %swap3A_466 = arith.constant 0 : i32
            %swap3A_467 = tpu.memref_slice %run_scoped3A_8[%rem3A_327, %swap3A_463, %swap3A_464, %swap3A_465, %swap3A_466] : memref<2x1x10x8x512xi32, #tpu.memory_space<vmem>> -> memref<1x1x10x8x512xi32, #tpu.memory_space<vmem>>
            %swap3A_468 = tpu.memref_squeeze %swap3A_467 : memref<1x1x10x8x512xi32, #tpu.memory_space<vmem>> -> memref<1x10x8x512xi32, #tpu.memory_space<vmem>>
            %swap3A_469 = arith.index_cast %swap3A : i32 to index
            %swap3A_470 = arith.index_cast %swap3A_462 : i32 to index
            %swap3A_471 = arith.index_cast %add3A_435 : i32 to index
            %swap3A_472 = arith.index_cast %add3A_445 : i32 to index
            %swap3A_473 = tpu.vector_load %swap3A_468[%swap3A_469, %swap3A_470, %swap3A_471, %swap3A_472] {strides = array<i32>} : memref<1x10x8x512xi32, #tpu.memory_space<vmem>>, vector<16xi32>,
            tpu.vector_store %swap3A_468[%swap3A_469, %swap3A_470, %swap3A_471, %swap3A_472], %convert_element_type3A_461 {strides = array<i32>} : memref<1x10x8x512xi32, #tpu.memory_space<vmem>>, vector<16xi32>,
            %eq3A_474 = arith.constant 1 : i32
            %eq3A_475 = vector.broadcast %eq3A_474 : i32 to vector<16xi32>
            %eq3A_476 = arith.cmpi eq, %get3A_457, %eq3A_475 : vector<16xi32>
            %convert_element_type3A_477 = arith.extui %eq3A_476 : vector<16xi1> to vector<16xi32>
            %swap3A_478 = arith.constant 0 : i32
            %swap3A_479 = arith.constant 1 : i32
            %swap3A_480 = arith.constant 0 : i32
            %swap3A_481 = arith.constant 0 : i32
            %swap3A_482 = arith.constant 0 : i32
            %swap3A_483 = arith.constant 0 : i32
            %swap3A_484 = tpu.memref_slice %run_scoped3A_8[%rem3A_327, %swap3A_480, %swap3A_481, %swap3A_482, %swap3A_483] : memref<2x1x10x8x512xi32, #tpu.memory_space<vmem>> -> memref<1x1x10x8x512xi32, #tpu.memory_space<vmem>>
            %swap3A_485 = tpu.memref_squeeze %swap3A_484 : memref<1x1x10x8x512xi32, #tpu.memory_space<vmem>> -> memref<1x10x8x512xi32, #tpu.memory_space<vmem>>
            %swap3A_486 = arith.index_cast %swap3A_478 : i32 to index
            %swap3A_487 = arith.index_cast %swap3A_479 : i32 to index
            %swap3A_488 = arith.index_cast %add3A_435 : i32 to index
            %swap3A_489 = arith.index_cast %add3A_445 : i32 to index
            %swap3A_490 = tpu.vector_load %swap3A_485[%swap3A_486, %swap3A_487, %swap3A_488, %swap3A_489] {strides = array<i32>} : memref<1x10x8x512xi32, #tpu.memory_space<vmem>>, vector<16xi32>,
            tpu.vector_store %swap3A_485[%swap3A_486, %swap3A_487, %swap3A_488, %swap3A_489], %convert_element_type3A_477 {strides = array<i32>} : memref<1x10x8x512xi32, #tpu.memory_space<vmem>>, vector<16xi32>,
            %eq3A_491 = arith.constant 2 : i32
            %eq3A_492 = vector.broadcast %eq3A_491 : i32 to vector<16xi32>
            %eq3A_493 = arith.cmpi eq, %get3A_457, %eq3A_492 : vector<16xi32>
            %convert_element_type3A_494 = arith.extui %eq3A_493 : vector<16xi1> to vector<16xi32>
            %swap3A_495 = arith.constant 0 : i32
            %swap3A_496 = arith.constant 2 : i32
            %swap3A_497 = arith.constant 0 : i32
            %swap3A_498 = arith.constant 0 : i32
            %swap3A_499 = arith.constant 0 : i32
            %swap3A_500 = arith.constant 0 : i32
            %swap3A_501 = tpu.memref_slice %run_scoped3A_8[%rem3A_327, %swap3A_497, %swap3A_498, %swap3A_499, %swap3A_500] : memref<2x1x10x8x512xi32, #tpu.memory_space<vmem>> -> memref<1x1x10x8x512xi32, #tpu.memory_space<vmem>>
            %swap3A_502 = tpu.memref_squeeze %swap3A_501 : memref<1x1x10x8x512xi32, #tpu.memory_space<vmem>> -> memref<1x10x8x512xi32, #tpu.memory_space<vmem>>
            %swap3A_503 = arith.index_cast %swap3A_495 : i32 to index
            %swap3A_504 = arith.index_cast %swap3A_496 : i32 to index
            %swap3A_505 = arith.index_cast %add3A_435 : i32 to index
            %swap3A_506 = arith.index_cast %add3A_445 : i32 to index
            %swap3A_507 = tpu.vector_load %swap3A_502[%swap3A_503, %swap3A_504, %swap3A_505, %swap3A_506] {strides = array<i32>} : memref<1x10x8x512xi32, #tpu.memory_space<vmem>>, vector<16xi32>,
            tpu.vector_store %swap3A_502[%swap3A_503, %swap3A_504, %swap3A_505, %swap3A_506], %convert_element_type3A_494 {strides = array<i32>} : memref<1x10x8x512xi32, #tpu.memory_space<vmem>>, vector<16xi32>,
            %eq3A_508 = arith.constant 3 : i32
            %eq3A_509 = vector.broadcast %eq3A_508 : i32 to vector<16xi32>
            %eq3A_510 = arith.cmpi eq, %get3A_457, %eq3A_509 : vector<16xi32>
            %convert_element_type3A_511 = arith.extui %eq3A_510 : vector<16xi1> to vector<16xi32>
            %swap3A_512 = arith.constant 0 : i32
            %swap3A_513 = arith.constant 3 : i32
            %swap3A_514 = arith.constant 0 : i32
            %swap3A_515 = arith.constant 0 : i32
            %swap3A_516 = arith.constant 0 : i32
            %swap3A_517 = arith.constant 0 : i32
            %swap3A_518 = tpu.memref_slice %run_scoped3A_8[%rem3A_327, %swap3A_514, %swap3A_515, %swap3A_516, %swap3A_517] : memref<2x1x10x8x512xi32, #tpu.memory_space<vmem>> -> memref<1x1x10x8x512xi32, #tpu.memory_space<vmem>>
            %swap3A_519 = tpu.memref_squeeze %swap3A_518 : memref<1x1x10x8x512xi32, #tpu.memory_space<vmem>> -> memref<1x10x8x512xi32, #tpu.memory_space<vmem>>
            %swap3A_520 = arith.index_cast %swap3A_512 : i32 to index
            %swap3A_521 = arith.index_cast %swap3A_513 : i32 to index
            %swap3A_522 = arith.index_cast %add3A_435 : i32 to index
            %swap3A_523 = arith.index_cast %add3A_445 : i32 to index
            %swap3A_524 = tpu.vector_load %swap3A_519[%swap3A_520, %swap3A_521, %swap3A_522, %swap3A_523] {strides = array<i32>} : memref<1x10x8x512xi32, #tpu.memory_space<vmem>>, vector<16xi32>,
            tpu.vector_store %swap3A_519[%swap3A_520, %swap3A_521, %swap3A_522, %swap3A_523], %convert_element_type3A_511 {strides = array<i32>} : memref<1x10x8x512xi32, #tpu.memory_space<vmem>>, vector<16xi32>,
            %eq3A_525 = arith.constant 4 : i32
            %eq3A_526 = vector.broadcast %eq3A_525 : i32 to vector<16xi32>
            %eq3A_527 = arith.cmpi eq, %get3A_457, %eq3A_526 : vector<16xi32>
            %convert_element_type3A_528 = arith.extui %eq3A_527 : vector<16xi1> to vector<16xi32>
            %swap3A_529 = arith.constant 0 : i32
            %swap3A_530 = arith.constant 4 : i32
            %swap3A_531 = arith.constant 0 : i32
            %swap3A_532 = arith.constant 0 : i32
            %swap3A_533 = arith.constant 0 : i32
            %swap3A_534 = arith.constant 0 : i32
            %swap3A_535 = tpu.memref_slice %run_scoped3A_8[%rem3A_327, %swap3A_531, %swap3A_532, %swap3A_533, %swap3A_534] : memref<2x1x10x8x512xi32, #tpu.memory_space<vmem>> -> memref<1x1x10x8x512xi32, #tpu.memory_space<vmem>>
            %swap3A_536 = tpu.memref_squeeze %swap3A_535 : memref<1x1x10x8x512xi32, #tpu.memory_space<vmem>> -> memref<1x10x8x512xi32, #tpu.memory_space<vmem>>
            %swap3A_537 = arith.index_cast %swap3A_529 : i32 to index
            %swap3A_538 = arith.index_cast %swap3A_530 : i32 to index
            %swap3A_539 = arith.index_cast %add3A_435 : i32 to index
            %swap3A_540 = arith.index_cast %add3A_445 : i32 to index
            %swap3A_541 = tpu.vector_load %swap3A_536[%swap3A_537, %swap3A_538, %swap3A_539, %swap3A_540] {strides = array<i32>} : memref<1x10x8x512xi32, #tpu.memory_space<vmem>>, vector<16xi32>,
            tpu.vector_store %swap3A_536[%swap3A_537, %swap3A_538, %swap3A_539, %swap3A_540], %convert_element_type3A_528 {strides = array<i32>} : memref<1x10x8x512xi32, #tpu.memory_space<vmem>>, vector<16xi32>,
            %eq3A_542 = arith.constant 5 : i32
            %eq3A_543 = vector.broadcast %eq3A_542 : i32 to vector<16xi32>
            %eq3A_544 = arith.cmpi eq, %get3A_457, %eq3A_543 : vector<16xi32>
            %convert_element_type3A_545 = arith.extui %eq3A_544 : vector<16xi1> to vector<16xi32>
            %swap3A_546 = arith.constant 0 : i32
            %swap3A_547 = arith.constant 5 : i32
            %swap3A_548 = arith.constant 0 : i32
            %swap3A_549 = arith.constant 0 : i32
            %swap3A_550 = arith.constant 0 : i32
            %swap3A_551 = arith.constant 0 : i32
            %swap3A_552 = tpu.memref_slice %run_scoped3A_8[%rem3A_327, %swap3A_548, %swap3A_549, %swap3A_550, %swap3A_551] : memref<2x1x10x8x512xi32, #tpu.memory_space<vmem>> -> memref<1x1x10x8x512xi32, #tpu.memory_space<vmem>>
            %swap3A_553 = tpu.memref_squeeze %swap3A_552 : memref<1x1x10x8x512xi32, #tpu.memory_space<vmem>> -> memref<1x10x8x512xi32, #tpu.memory_space<vmem>>
            %swap3A_554 = arith.index_cast %swap3A_546 : i32 to index
            %swap3A_555 = arith.index_cast %swap3A_547 : i32 to index
            %swap3A_556 = arith.index_cast %add3A_435 : i32 to index
            %swap3A_557 = arith.index_cast %add3A_445 : i32 to index
            %swap3A_558 = tpu.vector_load %swap3A_553[%swap3A_554, %swap3A_555, %swap3A_556, %swap3A_557] {strides = array<i32>} : memref<1x10x8x512xi32, #tpu.memory_space<vmem>>, vector<16xi32>,
            tpu.vector_store %swap3A_553[%swap3A_554, %swap3A_555, %swap3A_556, %swap3A_557], %convert_element_type3A_545 {strides = array<i32>} : memref<1x10x8x512xi32, #tpu.memory_space<vmem>>, vector<16xi32>,
            %eq3A_559 = arith.constant 6 : i32
            %eq3A_560 = vector.broadcast %eq3A_559 : i32 to vector<16xi32>
            %eq3A_561 = arith.cmpi eq, %get3A_457, %eq3A_560 : vector<16xi32>
            %convert_element_type3A_562 = arith.extui %eq3A_561 : vector<16xi1> to vector<16xi32>
            %swap3A_563 = arith.constant 0 : i32
            %swap3A_564 = arith.constant 6 : i32
            %swap3A_565 = arith.constant 0 : i32
            %swap3A_566 = arith.constant 0 : i32
            %swap3A_567 = arith.constant 0 : i32
            %swap3A_568 = arith.constant 0 : i32
            %swap3A_569 = tpu.memref_slice %run_scoped3A_8[%rem3A_327, %swap3A_565, %swap3A_566, %swap3A_567, %swap3A_568] : memref<2x1x10x8x512xi32, #tpu.memory_space<vmem>> -> memref<1x1x10x8x512xi32, #tpu.memory_space<vmem>>
            %swap3A_570 = tpu.memref_squeeze %swap3A_569 : memref<1x1x10x8x512xi32, #tpu.memory_space<vmem>> -> memref<1x10x8x512xi32, #tpu.memory_space<vmem>>
            %swap3A_571 = arith.index_cast %swap3A_563 : i32 to index
            %swap3A_572 = arith.index_cast %swap3A_564 : i32 to index
            %swap3A_573 = arith.index_cast %add3A_435 : i32 to index
            %swap3A_574 = arith.index_cast %add3A_445 : i32 to index
            %swap3A_575 = tpu.vector_load %swap3A_570[%swap3A_571, %swap3A_572, %swap3A_573, %swap3A_574] {strides = array<i32>} : memref<1x10x8x512xi32, #tpu.memory_space<vmem>>, vector<16xi32>,
            tpu.vector_store %swap3A_570[%swap3A_571, %swap3A_572, %swap3A_573, %swap3A_574], %convert_element_type3A_562 {strides = array<i32>} : memref<1x10x8x512xi32, #tpu.memory_space<vmem>>, vector<16xi32>,
            %eq3A_576 = arith.constant 7 : i32
            %eq3A_577 = vector.broadcast %eq3A_576 : i32 to vector<16xi32>
            %eq3A_578 = arith.cmpi eq, %get3A_457, %eq3A_577 : vector<16xi32>
            %convert_element_type3A_579 = arith.extui %eq3A_578 : vector<16xi1> to vector<16xi32>
            %swap3A_580 = arith.constant 0 : i32
            %swap3A_581 = arith.constant 7 : i32
            %swap3A_582 = arith.constant 0 : i32
            %swap3A_583 = arith.constant 0 : i32
            %swap3A_584 = arith.constant 0 : i32
            %swap3A_585 = arith.constant 0 : i32
            %swap3A_586 = tpu.memref_slice %run_scoped3A_8[%rem3A_327, %swap3A_582, %swap3A_583, %swap3A_584, %swap3A_585] : memref<2x1x10x8x512xi32, #tpu.memory_space<vmem>> -> memref<1x1x10x8x512xi32, #tpu.memory_space<vmem>>
            %swap3A_587 = tpu.memref_squeeze %swap3A_586 : memref<1x1x10x8x512xi32, #tpu.memory_space<vmem>> -> memref<1x10x8x512xi32, #tpu.memory_space<vmem>>
            %swap3A_588 = arith.index_cast %swap3A_580 : i32 to index
            %swap3A_589 = arith.index_cast %swap3A_581 : i32 to index
            %swap3A_590 = arith.index_cast %add3A_435 : i32 to index
            %swap3A_591 = arith.index_cast %add3A_445 : i32 to index
            %swap3A_592 = tpu.vector_load %swap3A_587[%swap3A_588, %swap3A_589, %swap3A_590, %swap3A_591] {strides = array<i32>} : memref<1x10x8x512xi32, #tpu.memory_space<vmem>>, vector<16xi32>,
            tpu.vector_store %swap3A_587[%swap3A_588, %swap3A_589, %swap3A_590, %swap3A_591], %convert_element_type3A_579 {strides = array<i32>} : memref<1x10x8x512xi32, #tpu.memory_space<vmem>>, vector<16xi32>,
            %eq3A_593 = arith.constant 8 : i32
            %eq3A_594 = vector.broadcast %eq3A_593 : i32 to vector<16xi32>
            %eq3A_595 = arith.cmpi eq, %get3A_457, %eq3A_594 : vector<16xi32>
            %convert_element_type3A_596 = arith.extui %eq3A_595 : vector<16xi1> to vector<16xi32>
            %swap3A_597 = arith.constant 0 : i32
            %swap3A_598 = arith.constant 8 : i32
            %swap3A_599 = arith.constant 0 : i32
            %swap3A_600 = arith.constant 0 : i32
            %swap3A_601 = arith.constant 0 : i32
            %swap3A_602 = arith.constant 0 : i32
            %swap3A_603 = tpu.memref_slice %run_scoped3A_8[%rem3A_327, %swap3A_599, %swap3A_600, %swap3A_601, %swap3A_602] : memref<2x1x10x8x512xi32, #tpu.memory_space<vmem>> -> memref<1x1x10x8x512xi32, #tpu.memory_space<vmem>>
            %swap3A_604 = tpu.memref_squeeze %swap3A_603 : memref<1x1x10x8x512xi32, #tpu.memory_space<vmem>> -> memref<1x10x8x512xi32, #tpu.memory_space<vmem>>
            %swap3A_605 = arith.index_cast %swap3A_597 : i32 to index
            %swap3A_606 = arith.index_cast %swap3A_598 : i32 to index
            %swap3A_607 = arith.index_cast %add3A_435 : i32 to index
            %swap3A_608 = arith.index_cast %add3A_445 : i32 to index
            %swap3A_609 = tpu.vector_load %swap3A_604[%swap3A_605, %swap3A_606, %swap3A_607, %swap3A_608] {strides = array<i32>} : memref<1x10x8x512xi32, #tpu.memory_space<vmem>>, vector<16xi32>,
            tpu.vector_store %swap3A_604[%swap3A_605, %swap3A_606, %swap3A_607, %swap3A_608], %convert_element_type3A_596 {strides = array<i32>} : memref<1x10x8x512xi32, #tpu.memory_space<vmem>>, vector<16xi32>,
            %eq3A_610 = arith.constant 9 : i32
            %eq3A_611 = vector.broadcast %eq3A_610 : i32 to vector<16xi32>
            %eq3A_612 = arith.cmpi eq, %get3A_457, %eq3A_611 : vector<16xi32>
            %convert_element_type3A_613 = arith.extui %eq3A_612 : vector<16xi1> to vector<16xi32>
            %swap3A_614 = arith.constant 0 : i32
            %swap3A_615 = arith.constant 9 : i32
            %swap3A_616 = arith.constant 0 : i32
            %swap3A_617 = arith.constant 0 : i32
            %swap3A_618 = arith.constant 0 : i32
            %swap3A_619 = arith.constant 0 : i32
            %swap3A_620 = tpu.memref_slice %run_scoped3A_8[%rem3A_327, %swap3A_616, %swap3A_617, %swap3A_618, %swap3A_619] : memref<2x1x10x8x512xi32, #tpu.memory_space<vmem>> -> memref<1x1x10x8x512xi32, #tpu.memory_space<vmem>>
            %swap3A_621 = tpu.memref_squeeze %swap3A_620 : memref<1x1x10x8x512xi32, #tpu.memory_space<vmem>> -> memref<1x10x8x512xi32, #tpu.memory_space<vmem>>
            %swap3A_622 = arith.index_cast %swap3A_614 : i32 to index
            %swap3A_623 = arith.index_cast %swap3A_615 : i32 to index
            %swap3A_624 = arith.index_cast %add3A_435 : i32 to index
            %swap3A_625 = arith.index_cast %add3A_445 : i32 to index
            %swap3A_626 = tpu.vector_load %swap3A_621[%swap3A_622, %swap3A_623, %swap3A_624, %swap3A_625] {strides = array<i32>} : memref<1x10x8x512xi32, #tpu.memory_space<vmem>>, vector<16xi32>,
            tpu.vector_store %swap3A_621[%swap3A_622, %swap3A_623, %swap3A_624, %swap3A_625], %convert_element_type3A_613 {strides = array<i32>} : memref<1x10x8x512xi32, #tpu.memory_space<vmem>>, vector<16xi32>,
          }
          %scan3A_440 = arith.constant 32 : i32
        }
        %scan3A_332 = arith.constant 8 : i32
        "tpu.trace_stop"() : () -> ()
        %ne3A_333 = arith.cmpi ne, %add3A_213, %add3A_249 : i32
        %ne3A_334 = arith.cmpi ne, %add3A_214, %add3A_250 : i32
        %or3A_335 = arith.constant false
        %or3A_336 = arith.ori %or3A_335, %ne3A_333 : i1
        %or3A_337 = arith.constant false
        %or3A_338 = arith.ori %or3A_336, %or3A_337 : i1
        %or3A_339 = arith.ori %or3A_338, %ne3A_334 : i1
        %or3A_340 = arith.constant false
        %or3A_341 = arith.ori %or3A_339, %or3A_340 : i1
        %or3A_342 = arith.ori %or3A_341, %eq3A_211 : i1
        %convert_element_type3A_343 = arith.extui %or3A_342 : i1 to i32
        %cond3A_344 = arith.constant 0 : i32
        %cond3A_345 = arith.cmpi ne, %convert_element_type3A_343, %cond3A_344 : i32
        scf.if %cond3A_345 {
        } else {
        }
        %and3A_346 = arith.constant false
        %and3A_347 = arith.andi %or3A_342, %and3A_346 : i1
        %ne3A_348 = arith.cmpi ne, %add3A_213, %add3A_249 : i32
        %ne3A_349 = arith.cmpi ne, %add3A_214, %add3A_250 : i32
        %or3A_350 = arith.constant false
        %or3A_351 = arith.ori %or3A_350, %ne3A_348 : i1
        %or3A_352 = arith.constant false
        %or3A_353 = arith.ori %or3A_351, %or3A_352 : i1
        %or3A_354 = arith.ori %or3A_353, %ne3A_349 : i1
        %or3A_355 = arith.constant false
        %or3A_356 = arith.ori %or3A_354, %or3A_355 : i1
        %or3A_357 = arith.ori %or3A_356, %eq3A_211 : i1
        %convert_element_type3A_358 = arith.extui %or3A_357 : i1 to i32
        %cond3A_359 = arith.constant 0 : i32
        %cond3A_360 = arith.cmpi ne, %convert_element_type3A_358, %cond3A_359 : i32
        scf.if %cond3A_360 {
          "tpu.trace_start"() <{level = 10 : i32, message = "ep_copy_out"}> : () -> ()
          %rem3A_431 = arith.constant 2 : i32
          %rem3A_432 = arith.remui %scan3A_204, %rem3A_431 : i32
          %mul3A_433 = arith.constant 1 : i32
          %mul3A_434 = arith.muli %mul3A_433, %add3A_213 : i32
          %mul3A_435 = arith.constant 8 : i32
          %mul3A_436 = arith.muli %mul3A_435, %add3A_214 : i32
          %dma_start3A_437 = arith.constant 0 : i32
          %dma_start3A_438 = arith.constant 0 : i32
          %dma_start3A_439 = arith.constant 0 : i32
          %dma_start3A_440 = arith.constant 0 : i32
          %dma_start3A_441 = tpu.memref_slice %run_scoped3A_8[%rem3A_432, %dma_start3A_437, %dma_start3A_438, %dma_start3A_439, %dma_start3A_440] : memref<2x1x10x8x512xi32, #tpu.memory_space<vmem>> -> memref<1x1x10x8x512xi32, #tpu.memory_space<vmem>>
          %dma_start3A_442 = tpu.memref_squeeze %dma_start3A_441 : memref<1x1x10x8x512xi32, #tpu.memory_space<vmem>> -> memref<1x10x8x512xi32, #tpu.memory_space<vmem>>
          %dma_start3A_443 = arith.constant 0 : i32
          %dma_start3A_444 = arith.constant 0 : i32
          %dma_start3A_445 = tpu.memref_slice %arg3[%mul3A_434, %dma_start3A_443, %mul3A_436, %dma_start3A_444] : memref<16x10x512x512xi32, #tpu.memory_space<hbm>> -> memref<1x10x8x512xi32, #tpu.memory_space<hbm>>
          %dma_start3A_446 = tpu.memref_slice %run_scoped3A_9[%rem3A_432] : memref<2x!tpu.dma_semaphore, #tpu.memory_space<semaphore_mem>> -> memref<1x!tpu.dma_semaphore, #tpu.memory_space<semaphore_mem>>
          %dma_start3A_447 = tpu.memref_squeeze %dma_start3A_446 : memref<1x!tpu.dma_semaphore, #tpu.memory_space<semaphore_mem>> -> memref<!tpu.dma_semaphore, #tpu.memory_space<semaphore_mem>>
          %dma_start3A_448 = arith.constant 0 : i32
          %dma_start3A_449 = arith.constant 0 : i32
          %dma_start3A_450 = tpu.memref_slice %arg3[%mul3A_434, %dma_start3A_448, %mul3A_436, %dma_start3A_449] : memref<16x10x512x512xi32, #tpu.memory_space<hbm>> -> memref<1x10x8x512xi32, #tpu.memory_space<hbm>>
          %dma_start3A_451 = arith.constant 0 : i32
          %dma_start3A_452 = arith.constant 0 : i32
          %dma_start3A_453 = arith.constant 0 : i32
          %dma_start3A_454 = arith.constant 0 : i32
          %dma_start3A_455 = tpu.memref_slice %run_scoped3A_8[%rem3A_432, %dma_start3A_451, %dma_start3A_452, %dma_start3A_453, %dma_start3A_454] : memref<2x1x10x8x512xi32, #tpu.memory_space<vmem>> -> memref<1x1x10x8x512xi32, #tpu.memory_space<vmem>>
          %dma_start3A_456 = tpu.memref_squeeze %dma_start3A_455 : memref<1x1x10x8x512xi32, #tpu.memory_space<vmem>> -> memref<1x10x8x512xi32, #tpu.memory_space<vmem>>
          tpu.enqueue_dma source(%dma_start3A_456 : memref<1x10x8x512xi32, #tpu.memory_space<vmem>>) target(%dma_start3A_450 : memref<1x10x8x512xi32, #tpu.memory_space<hbm>>) target_semaphore(%dma_start3A_447 : memref<!tpu.dma_semaphore, #tpu.memory_space<semaphore_mem>>)
          "tpu.trace_stop"() : () -> ()
        } else {
        }
        %and3A_361 = arith.constant true
        %and3A_362 = arith.andi %or3A_357, %and3A_361 : i1
        %add3A_363 = arith.constant 1 : i32
        %add3A_364 = arith.addi %scan3A_204, %add3A_363 : i32
        %select_n3A_365 = arith.select %and3A_362, %add3A_364, %scan3A_204 : i32
        %ne3A_366 = arith.cmpi ne, %add3A_213, %add3A_231 : i32
        %ne3A_367 = arith.cmpi ne, %add3A_214, %add3A_232 : i32
        %or3A_368 = arith.constant false
        %or3A_369 = arith.ori %or3A_368, %ne3A_366 : i1
        %or3A_370 = arith.constant false
        %or3A_371 = arith.ori %or3A_369, %or3A_370 : i1
        %or3A_372 = arith.ori %or3A_371, %ne3A_367 : i1
        %or3A_373 = arith.constant false
        %or3A_374 = arith.ori %or3A_372, %or3A_373 : i1
        %not3A_375 = arith.constant true
        %not3A_376 = arith.xori %eq3A_209, %not3A_375 : i1
        %and3A_377 = arith.andi %or3A_374, %not3A_376 : i1
        %convert_element_type3A_378 = arith.extui %and3A_377 : i1 to i32
        %cond3A_379 = arith.constant 0 : i32
        %cond3A_380 = arith.cmpi ne, %convert_element_type3A_378, %cond3A_379 : i32
        scf.if %cond3A_380 {
        } else {
        }
        %and3A_381 = arith.constant false
        %and3A_382 = arith.andi %and3A_377, %and3A_381 : i1
        %ne3A_383 = arith.cmpi ne, %add3A_213, %add3A_231 : i32
        %ne3A_384 = arith.cmpi ne, %add3A_214, %add3A_232 : i32
        %or3A_385 = arith.constant false
        %or3A_386 = arith.ori %or3A_385, %ne3A_383 : i1
        %or3A_387 = arith.constant false
        %or3A_388 = arith.ori %or3A_386, %or3A_387 : i1
        %or3A_389 = arith.ori %or3A_388, %ne3A_384 : i1
        %or3A_390 = arith.constant false
        %or3A_391 = arith.ori %or3A_389, %or3A_390 : i1
        %not3A_392 = arith.constant true
        %not3A_393 = arith.xori %eq3A_209, %not3A_392 : i1
        %and3A_394 = arith.andi %or3A_391, %not3A_393 : i1
        %convert_element_type3A_395 = arith.extui %and3A_394 : i1 to i32
        %cond3A_396 = arith.constant 0 : i32
        %cond3A_397 = arith.cmpi ne, %convert_element_type3A_395, %cond3A_396 : i32
        scf.if %cond3A_397 {
          "tpu.trace_start"() <{level = 10 : i32, message = "ep_wait_out"}> : () -> ()
          %rem3A_431 = arith.constant 2 : i32
          %rem3A_432 = arith.remui %scan3A_205, %rem3A_431 : i32
          %mul3A_433 = arith.constant 1 : i32
          %mul3A_434 = arith.muli %mul3A_433, %add3A_231 : i32
          %mul3A_435 = arith.constant 8 : i32
          %mul3A_436 = arith.muli %mul3A_435, %add3A_232 : i32
          %dma_wait3A_437 = arith.constant 0 : i32
          %dma_wait3A_438 = arith.constant 0 : i32
          %dma_wait3A_439 = arith.constant 0 : i32
          %dma_wait3A_440 = arith.constant 0 : i32
          %dma_wait3A_441 = tpu.memref_slice %run_scoped3A_8[%rem3A_432, %dma_wait3A_437, %dma_wait3A_438, %dma_wait3A_439, %dma_wait3A_440] : memref<2x1x10x8x512xi32, #tpu.memory_space<vmem>> -> memref<1x1x10x8x512xi32, #tpu.memory_space<vmem>>
          %dma_wait3A_442 = tpu.memref_squeeze %dma_wait3A_441 : memref<1x1x10x8x512xi32, #tpu.memory_space<vmem>> -> memref<1x10x8x512xi32, #tpu.memory_space<vmem>>
          %dma_wait3A_443 = arith.constant 0 : i32
          %dma_wait3A_444 = arith.constant 0 : i32
          %dma_wait3A_445 = tpu.memref_slice %arg3[%mul3A_434, %dma_wait3A_443, %mul3A_436, %dma_wait3A_444] : memref<16x10x512x512xi32, #tpu.memory_space<hbm>> -> memref<1x10x8x512xi32, #tpu.memory_space<hbm>>
          %dma_wait3A_446 = tpu.memref_slice %run_scoped3A_9[%rem3A_432] : memref<2x!tpu.dma_semaphore, #tpu.memory_space<semaphore_mem>> -> memref<1x!tpu.dma_semaphore, #tpu.memory_space<semaphore_mem>>
          %dma_wait3A_447 = tpu.memref_squeeze %dma_wait3A_446 : memref<1x!tpu.dma_semaphore, #tpu.memory_space<semaphore_mem>> -> memref<!tpu.dma_semaphore, #tpu.memory_space<semaphore_mem>>
          %dma_wait3A_448 = arith.constant 0 : i32
          %dma_wait3A_449 = arith.constant 0 : i32
          %dma_wait3A_450 = tpu.memref_slice %arg3[%mul3A_434, %dma_wait3A_448, %mul3A_436, %dma_wait3A_449] : memref<16x10x512x512xi32, #tpu.memory_space<hbm>> -> memref<1x10x8x512xi32, #tpu.memory_space<hbm>>
          %dma_wait3A_451 = arith.constant 0 : i32
          %dma_wait3A_452 = arith.constant 0 : i32
          %dma_wait3A_453 = arith.constant 0 : i32
          %dma_wait3A_454 = arith.constant 0 : i32
          %dma_wait3A_455 = tpu.memref_slice %run_scoped3A_8[%rem3A_432, %dma_wait3A_451, %dma_wait3A_452, %dma_wait3A_453, %dma_wait3A_454] : memref<2x1x10x8x512xi32, #tpu.memory_space<vmem>> -> memref<1x1x10x8x512xi32, #tpu.memory_space<vmem>>
          %dma_wait3A_456 = tpu.memref_squeeze %dma_wait3A_455 : memref<1x1x10x8x512xi32, #tpu.memory_space<vmem>> -> memref<1x10x8x512xi32, #tpu.memory_space<vmem>>
          tpu.wait_dma2 semaphore(%dma_wait3A_447 : memref<!tpu.dma_semaphore, #tpu.memory_space<semaphore_mem>>) src(%dma_wait3A_456 : memref<1x10x8x512xi32, #tpu.memory_space<vmem>>) dst(%dma_wait3A_450 : memref<1x10x8x512xi32, #tpu.memory_space<hbm>>)
          "tpu.trace_stop"() : () -> ()
        } else {
        }
        %and3A_398 = arith.constant true
        %and3A_399 = arith.andi %and3A_394, %and3A_398 : i1
        %add3A_400 = arith.constant 1 : i32
        %add3A_401 = arith.addi %scan3A_205, %add3A_400 : i32
        %select_n3A_402 = arith.select %and3A_399, %add3A_401, %scan3A_205 : i32
        %ne3A_403 = arith.cmpi ne, %add3A_213, %add3A_249 : i32
        %ne3A_404 = arith.cmpi ne, %add3A_214, %add3A_250 : i32
        %or3A_405 = arith.constant false
        %or3A_406 = arith.ori %or3A_405, %ne3A_403 : i1
        %or3A_407 = arith.constant false
        %or3A_408 = arith.ori %or3A_406, %or3A_407 : i1
        %or3A_409 = arith.ori %or3A_408, %ne3A_404 : i1
        %or3A_410 = arith.constant false
        %or3A_411 = arith.ori %or3A_409, %or3A_410 : i1
        %or3A_412 = arith.ori %or3A_411, %eq3A_211 : i1
        %add3A_413 = arith.constant 1 : i32
        %add3A_414 = arith.addi %scan3A_203, %add3A_413 : i32
        %select_n3A_415 = arith.select %or3A_412, %add3A_414, %scan3A_203 : i32
        %add3A_416 = arith.constant 1 : i32
        %add3A_417 = arith.addi %scan3A_207, %add3A_416 : i32
        %select_n3A_418 = arith.constant true
        %select_n3A_419 = arith.select %select_n3A_418, %add3A_417, %scan3A_207 : i32
        %eq3A_420 = arith.constant 2 : i32
        %eq3A_421 = arith.cmpi eq, %select_n3A_419, %eq3A_420 : i32
        %select_n3A_422 = arith.constant 0 : i32
        %select_n3A_423 = arith.select %eq3A_421, %select_n3A_422, %select_n3A_419 : i32
        %add3A_424 = arith.constant 1 : i32
        %add3A_425 = arith.addi %scan3A_206, %add3A_424 : i32
        %select_n3A_426 = arith.select %eq3A_421, %add3A_425, %scan3A_206 : i32
        %eq3A_427 = arith.constant 16 : i32
        %eq3A_428 = arith.cmpi eq, %select_n3A_426, %eq3A_427 : i32
        %select_n3A_429 = arith.constant 0 : i32
        %select_n3A_430 = arith.select %eq3A_428, %select_n3A_429, %select_n3A_426 : i32
        scf.yield %select_n3A_283, %select_n3A_415, %select_n3A_365, %select_n3A_402, %select_n3A_430, %select_n3A_423 : i32, i32, i32, i32, i32, i32
      }
      %scan3A_104 = arith.constant 32 : i32
      %sub3A = arith.constant 1 : i32
      %sub3A_105 = arith.subi %scan3A_103#5, %sub3A : i32
      %select_n3A_106 = arith.constant true
      %select_n3A_107 = arith.select %select_n3A_106, %sub3A_105, %scan3A_103#5 : i32
      %eq3A_108 = arith.constant -1 : i32
      %eq3A_109 = arith.cmpi eq, %select_n3A_107, %eq3A_108 : i32
      %select_n3A_110 = arith.constant 1 : i32
      %select_n3A_111 = arith.select %eq3A_109, %select_n3A_110, %select_n3A_107 : i32
      %sub3A_112 = arith.constant 1 : i32
      %sub3A_113 = arith.subi %scan3A_103#4, %sub3A_112 : i32
      %select_n3A_114 = arith.select %eq3A_109, %sub3A_113, %scan3A_103#4 : i32
      %eq3A_115 = arith.constant -1 : i32
      %eq3A_116 = arith.cmpi eq, %select_n3A_114, %eq3A_115 : i32
      %select_n3A_117 = arith.constant 15 : i32
      %select_n3A_118 = arith.select %eq3A_116, %select_n3A_117, %select_n3A_114 : i32
      %add3A_119 = arith.constant 0 : i32
      %add3A_120 = arith.addi %select_n3A_118, %add3A_119 : i32
      %add3A_121 = arith.addi %select_n3A_111, %mul3A_6 : i32
      %sub3A_122 = arith.constant 1 : i32
      %sub3A_123 = arith.subi %select_n3A_111, %sub3A_122 : i32
      %select_n3A_124 = arith.constant true
      %select_n3A_125 = arith.select %select_n3A_124, %sub3A_123, %select_n3A_111 : i32
      %eq3A_126 = arith.constant -1 : i32
      %eq3A_127 = arith.cmpi eq, %select_n3A_125, %eq3A_126 : i32
      %select_n3A_128 = arith.constant 1 : i32
      %select_n3A_129 = arith.select %eq3A_127, %select_n3A_128, %select_n3A_125 : i32
      %sub3A_130 = arith.constant 1 : i32
      %sub3A_131 = arith.subi %select_n3A_118, %sub3A_130 : i32
      %select_n3A_132 = arith.select %eq3A_127, %sub3A_131, %select_n3A_118 : i32
      %eq3A_133 = arith.constant -1 : i32
      %eq3A_134 = arith.cmpi eq, %select_n3A_132, %eq3A_133 : i32
      %select_n3A_135 = arith.constant 15 : i32
      %select_n3A_136 = arith.select %eq3A_134, %select_n3A_135, %select_n3A_132 : i32
      %add3A_137 = arith.constant 0 : i32
      %add3A_138 = arith.addi %select_n3A_136, %add3A_137 : i32
      %add3A_139 = arith.addi %select_n3A_129, %mul3A_6 : i32
      %add3A_140 = arith.constant 1 : i32
      %add3A_141 = arith.addi %select_n3A_111, %add3A_140 : i32
      %select_n3A_142 = arith.constant true
      %select_n3A_143 = arith.select %select_n3A_142, %add3A_141, %select_n3A_111 : i32
      %eq3A_144 = arith.constant 2 : i32
      %eq3A_145 = arith.cmpi eq, %select_n3A_143, %eq3A_144 : i32
      %select_n3A_146 = arith.constant 0 : i32
      %select_n3A_147 = arith.select %eq3A_145, %select_n3A_146, %select_n3A_143 : i32
      %add3A_148 = arith.constant 1 : i32
      %add3A_149 = arith.addi %select_n3A_118, %add3A_148 : i32
      %select_n3A_150 = arith.select %eq3A_145, %add3A_149, %select_n3A_118 : i32
      %eq3A_151 = arith.constant 16 : i32
      %eq3A_152 = arith.cmpi eq, %select_n3A_150, %eq3A_151 : i32
      %select_n3A_153 = arith.constant 0 : i32
      %select_n3A_154 = arith.select %eq3A_152, %select_n3A_153, %select_n3A_150 : i32
      %add3A_155 = arith.constant 0 : i32
      %add3A_156 = arith.addi %select_n3A_154, %add3A_155 : i32
      %add3A_157 = arith.addi %select_n3A_147, %mul3A_6 : i32
      %add3A_158 = arith.constant 1 : i32
      %add3A_159 = arith.addi %select_n3A_147, %add3A_158 : i32
      %select_n3A_160 = arith.constant true
      %select_n3A_161 = arith.select %select_n3A_160, %add3A_159, %select_n3A_147 : i32
      %eq3A_162 = arith.constant 2 : i32
      %eq3A_163 = arith.cmpi eq, %select_n3A_161, %eq3A_162 : i32
      %select_n3A_164 = arith.constant 0 : i32
      %select_n3A_165 = arith.select %eq3A_163, %select_n3A_164, %select_n3A_161 : i32
      %add3A_166 = arith.constant 1 : i32
      %add3A_167 = arith.addi %select_n3A_154, %add3A_166 : i32
      %select_n3A_168 = arith.select %eq3A_163, %add3A_167, %select_n3A_154 : i32
      %eq3A_169 = arith.constant 16 : i32
      %eq3A_170 = arith.cmpi eq, %select_n3A_168, %eq3A_169 : i32
      %select_n3A_171 = arith.constant 0 : i32
      %select_n3A_172 = arith.select %eq3A_170, %select_n3A_171, %select_n3A_168 : i32
      %add3A_173 = arith.constant 0 : i32
      %add3A_174 = arith.addi %select_n3A_172, %add3A_173 : i32
      %add3A_175 = arith.addi %select_n3A_165, %mul3A_6 : i32
      "tpu.trace_start"() <{level = 10 : i32, message = "ep_finalize"}> : () -> ()
      %rem3A_176 = arith.constant 2 : i32
      %rem3A_177 = arith.remui %scan3A_103#3, %rem3A_176 : i32
      %mul3A_178 = arith.constant 1 : i32
      %mul3A_179 = arith.muli %mul3A_178, %add3A_120 : i32
      %mul3A_180 = arith.constant 8 : i32
      %mul3A_181 = arith.muli %mul3A_180, %add3A_121 : i32
      %dma_wait3A = arith.constant 0 : i32
      %dma_wait3A_182 = arith.constant 0 : i32
      %dma_wait3A_183 = arith.constant 0 : i32
      %dma_wait3A_184 = arith.constant 0 : i32
      %dma_wait3A_185 = tpu.memref_slice %run_scoped3A_8[%rem3A_177, %dma_wait3A, %dma_wait3A_182, %dma_wait3A_183, %dma_wait3A_184] : memref<2x1x10x8x512xi32, #tpu.memory_space<vmem>> -> memref<1x1x10x8x512xi32, #tpu.memory_space<vmem>>
      %dma_wait3A_186 = tpu.memref_squeeze %dma_wait3A_185 : memref<1x1x10x8x512xi32, #tpu.memory_space<vmem>> -> memref<1x10x8x512xi32, #tpu.memory_space<vmem>>
      %dma_wait3A_187 = arith.constant 0 : i32
      %dma_wait3A_188 = arith.constant 0 : i32
      %dma_wait3A_189 = tpu.memref_slice %arg3[%mul3A_179, %dma_wait3A_187, %mul3A_181, %dma_wait3A_188] : memref<16x10x512x512xi32, #tpu.memory_space<hbm>> -> memref<1x10x8x512xi32, #tpu.memory_space<hbm>>
      %dma_wait3A_190 = tpu.memref_slice %run_scoped3A_9[%rem3A_177] : memref<2x!tpu.dma_semaphore, #tpu.memory_space<semaphore_mem>> -> memref<1x!tpu.dma_semaphore, #tpu.memory_space<semaphore_mem>>
      %dma_wait3A_191 = tpu.memref_squeeze %dma_wait3A_190 : memref<1x!tpu.dma_semaphore, #tpu.memory_space<semaphore_mem>> -> memref<!tpu.dma_semaphore, #tpu.memory_space<semaphore_mem>>
      %dma_wait3A_192 = arith.constant 0 : i32
      %dma_wait3A_193 = arith.constant 0 : i32
      %dma_wait3A_194 = tpu.memref_slice %arg3[%mul3A_179, %dma_wait3A_192, %mul3A_181, %dma_wait3A_193] : memref<16x10x512x512xi32, #tpu.memory_space<hbm>> -> memref<1x10x8x512xi32, #tpu.memory_space<hbm>>
      %dma_wait3A_195 = arith.constant 0 : i32
      %dma_wait3A_196 = arith.constant 0 : i32
      %dma_wait3A_197 = arith.constant 0 : i32
      %dma_wait3A_198 = arith.constant 0 : i32
      %dma_wait3A_199 = tpu.memref_slice %run_scoped3A_8[%rem3A_177, %dma_wait3A_195, %dma_wait3A_196, %dma_wait3A_197, %dma_wait3A_198] : memref<2x1x10x8x512xi32, #tpu.memory_space<vmem>> -> memref<1x1x10x8x512xi32, #tpu.memory_space<vmem>>
      %dma_wait3A_200 = tpu.memref_squeeze %dma_wait3A_199 : memref<1x1x10x8x512xi32, #tpu.memory_space<vmem>> -> memref<1x10x8x512xi32, #tpu.memory_space<vmem>>
      tpu.wait_dma2 semaphore(%dma_wait3A_191 : memref<!tpu.dma_semaphore, #tpu.memory_space<semaphore_mem>>) src(%dma_wait3A_200 : memref<1x10x8x512xi32, #tpu.memory_space<vmem>>) dst(%dma_wait3A_194 : memref<1x10x8x512xi32, #tpu.memory_space<hbm>>)
      "tpu.trace_stop"() : () -> ()
      tpu.yield
    }) : () -> ()
    return
  }
}

</mosaic_0001>

<sc_bundles>
// kernel: kernel.3.cloned.1.call-start
scs
__scs_entry_jumppad:
0x0: {  	(pc) =	sbr.rel $0x88, $3  }
0x1: {  	(tag) =	ssettag $0x0;
	lr =	simm.s32 $0x1  }
0x2: {  	[smem:$0x3FA0] =	sst lr;
	_ =	strace $0xD0000000  }
0x3: {  	_ = 	snop  }
0x4: {  	_ = 	snop  }
0x5: {  	_ = 	snop  }
0x6: {  	_ = 	snop  }
0x7: {  	_ = 	snop  }
__scs_overlays_trampoline_lowered:
0x8: {  	[smem:$0x3FAF] =	sst s0  }
0x9: {  	[smem:$0x3FB0] =	sst s1  }
0xa: {  	[smem:$0x3FB1] =	sst s2  }
0xb: {  	[smem:$0x3FB2] =	sst s3  }
0xc: {  	[smem:$0x3FB3] =	sst s4  }
0xd: {  	[smem:$0x3FB4] =	sst s5  }
0xe: {  	[smem:$0x3FB5] =	sst s6  }
0xf: {  	[smem:$0x3FB6] =	sst s7  }
0x10: {  	[smem:$0x3FB7] =	sst s8  }
0x11: {  	[smem:$0x3FB8] =	sst s9;
	s0 =	simm.s32 @!p0 $0x0  }
0x12: {  	s1 =	sld [smem:$0x3F9E];
	s0 =	simm.s32 @p0 $0x1  }
0x13: {  	[smem:$0x3FB9] =	sst s0;
	s0 =	simm.s32 @!p1 $0x0  }
0x14: {  	s2 =	sld [smem:$0x3F9D];
	s0 =	simm.s32 @p1 $0x1  }
0x15: {  	[smem:$0x3FBA] =	sst s0;
	s0 =	simm.s32 @!p2 $0x0  }
0x16: {  	s3 =	sld [smem:$0x3FDB];
	s0 =	simm.s32 @p2 $0x1  }
0x17: {  	s4 =	simm.s32 $0x1BF5;
	[smem:$0x3FBC] =	sst s0  }
0x18: {  	s0 =	sld [smem:$0x3F9F];
	_ =	swait.ge [sflag:s4], $0x0  }
0x19: {  	s7 =	sld [smem:$0x3FA0]  }
0x1a: {  	s8 =	sadd.s32 $0xFFFFE003, lr  }
0x1b: {  	s9 =	sadd.s32 $0xFFFFFEF7, lr;
	s5 =	simm.s32 $0xFFFFFFFF;
	p2 =	slt.u32 s8, $0xFFFFF086  }
0x1c: {  	p1 =	slt.u32 s9, $0xF7A;
	s5 =	simm.s32 @!p2 $0x0  }
0x1d: {  	s5 =	simm.s32 @p1 $0x1;
	p0 =	seq.s32 s7, s2  }
0x1e: {  	s7 =	smul.u32 @!p0 $0xF7A, s2;
	p2 =	seq.s32 @!p0 s5, $0x0  }
0x1f: {  	s9 =	smul.u32 $0xF7A, s1;
	s8 =	simm.s32 @!p0 $0x1BF5;
	p2 =	por !p2, p0  }
0x20: {  	[sflag:s8] =	ssyncset.s32 @!p0 $0xFFFFF086;
	s6 =	sadd.s32 @!p0 s3, s7;
	s7 =	simm.s32 @!p0 $0x108  }
0x21: {  	s3 =	sadd.s32 s3, s9;
	s6 =	sadd.s32 @!p0 $0x88, s6;
	s7 =	simm.s32 @p2 $0x1082  }
0x22: {  	[simem:s7], [sflag:s8] =	dma.local @!p0 [hbm:s6], $0xF7A  }
0x23: {  	s9 =	sor.u32 $0xD0000000, s2;
	s6 =	simm.s32 $0x108;
	_ =	swait.ge @!p0 [sflag:s8], $0x0  }
0x24: {  	s3 =	sadd.s32 $0x88, s3;
	s6 =	simm.s32 @!p1 $0x1082;
	[sflag:s4] =	ssyncset.s32 $0xFFFFF086  }
0x25: {  	[simem:s6], [sflag:s4] =	dma.local [hbm:s3], $0xF7A  }
0x26: {  	[smem:$0x3FA0] =	sst s1;
	(tag) =	ssettag s2;
	_ =	strace s9  }
0x27: {  	s1 =	sld [smem:$0x3FB0]  }
0x28: {  	s2 =	sld [smem:$0x3FB1]  }
0x29: {  	s4 =	sld [smem:$0x3FB3]  }
0x2a: {  	p0 =	seq.s32 s5, $0x0;
	s5 =	sld [smem:$0x3FB4]  }
0x2b: {  	s6 =	sld [smem:$0x3FB5]  }
0x2c: {  	s7 =	sld [smem:$0x3FB6]  }
0x2d: {  	s3 =	simm.s32 $0x108;
	s8 =	sld [smem:$0x3FB7]  }
0x2e: {  	s3 =	simm.s32 @!p0 $0x1082;
	s9 =	sld [smem:$0x3FB8]  }
0x2f: {  	lr =	sadd.s32 s0, s3;
	s0 =	sld [smem:$0x3FAF]  }
0x30: {  	s3 =	sld [smem:$0x3FB2]  }
0x31: {  	[smem:$0x3FBB] =	sst s10  }
0x32: {  	s10 =	sld [smem:$0x3FB9];
	_ =	sdelay $0x3  }
0x33: {  	p0 =	seq.s32 s10, $0x1;
	s10 =	sld [smem:$0x3FBB];
	_ =	sdelay $0x3  }
0x34: {  	[smem:$0x3FBB] =	sst s10  }
0x35: {  	s10 =	sld [smem:$0x3FBA];
	_ =	sdelay $0x3  }
0x36: {  	p1 =	seq.s32 s10, $0x1;
	s10 =	sld [smem:$0x3FBB];
	_ =	sdelay $0x3  }
0x37: {  	[smem:$0x3FBB] =	sst s10  }
0x38: {  	s10 =	sld [smem:$0x3FBC]  }
0x39: {  	_ = 	snop;
	(pc) =	sbr.ind lr, $3  }
0x3a: {  	_ = 	snop  }
0x3b: {  	_ = 	snop  }
0x3c: {  	p2 =	seq.s32 s10, $0x1;
	s10 =	sld [smem:$0x3FBB]  }
0x3d: {  	_ =	shalt  }
0x3e: {  	_ =	shalt  }
0x3f: {  	_ =	shalt  }
0x40: {  	_ =	shalt  }
0x41: {  	_ =	shalt  }
0x42: {  	_ =	shalt  }
0x43: {  	_ =	shalt  }
0x44: {  	_ =	shalt  }
0x45: {  	_ =	shalt  }
0x46: {  	_ =	shalt  }
0x47: {  	_ =	shalt  }
0x48: {  	_ =	shalt  }
0x49: {  	_ =	shalt  }
0x4a: {  	_ =	shalt  }
0x4b: {  	_ =	shalt  }
0x4c: {  	_ =	shalt  }
0x4d: {  	_ =	shalt  }
0x4e: {  	_ =	shalt  }
0x4f: {  	_ =	shalt  }
0x50: {  	_ =	shalt  }
0x51: {  	_ =	shalt  }
0x52: {  	_ =	shalt  }
0x53: {  	_ =	shalt  }
0x54: {  	_ =	shalt  }
0x55: {  	_ =	shalt  }
0x56: {  	_ =	shalt  }
0x57: {  	_ =	shalt  }
0x58: {  	_ =	shalt  }
0x59: {  	_ =	shalt  }
0x5a: {  	_ =	shalt  }
0x5b: {  	_ =	shalt  }
0x5c: {  	_ =	shalt  }
0x5d: {  	_ =	shalt  }
0x5e: {  	_ =	shalt  }
0x5f: {  	_ =	shalt  }
0x60: {  	_ =	shalt  }
0x61: {  	_ =	shalt  }
0x62: {  	_ =	shalt  }
0x63: {  	_ =	shalt  }
0x64: {  	_ =	shalt  }
0x65: {  	_ =	shalt  }
0x66: {  	_ =	shalt  }
0x67: {  	_ =	shalt  }
0x68: {  	_ =	shalt  }
0x69: {  	_ =	shalt  }
0x6a: {  	_ =	shalt  }
0x6b: {  	_ =	shalt  }
0x6c: {  	_ =	shalt  }
0x6d: {  	_ =	shalt  }
0x6e: {  	_ =	shalt  }
0x6f: {  	_ =	shalt  }
0x70: {  	_ =	shalt  }
0x71: {  	_ =	shalt  }
0x72: {  	_ =	shalt  }
0x73: {  	_ =	shalt  }
0x74: {  	_ =	shalt  }
0x75: {  	_ =	shalt  }
0x76: {  	_ =	shalt  }
0x77: {  	_ =	shalt  }
0x78: {  	_ =	shalt  }
0x79: {  	_ =	shalt  }
0x7a: {  	_ =	shalt  }
0x7b: {  	_ =	shalt  }
0x7c: {  	_ =	shalt  }
0x7d: {  	_ =	shalt  }
0x7e: {  	_ =	shalt  }
0x7f: {  	_ =	shalt  }
0x80: {  	_ =	shalt  }
0x81: {  	_ =	shalt  }
0x82: {  	_ =	shalt  }
0x83: {  	_ =	shalt  }
0x84: {  	_ =	shalt  }
0x85: {  	_ =	shalt  }
0x86: {  	_ =	shalt  }
0x87: {  	_ =	shalt  }
.Lfunc_end0:
.L_simem_size_0:
called_computation_lowered:
.L_overlay_start_0:
0x88: {  	s2 =	sld [smem:$0x3FD9]  }
0x89: {  	s3 =	sld [smem:$0x3FFE];
	_ =	sdelay $0x1  }
0x8a: {  	s1 =	srdreg.scid  }
0x8b: {  	s0 =	sand.u32 $0x1, s1  }
0x8c: {  	s18 =	sshll.u32 s0, $0xA;
	s2 =	sadd.s32 s3, s2  }
0x8d: {  	s2 =	sadd.s32 s2, s18  }
0x8e: {  	[smem:$0x3FC7] =	sst s2  }
0x8f: {  	_ = 	snop  }
0x90: {  	s2 =	sld [smem:$0x3FC9]  }
0x91: {  	s19 =	sld [smem:$0x3FD0];
	(tm) =	ssettm $0x1  }
0x92: {  	s4 =	sld [smem:$0x3FFB];
	_ =	sdelay $0x3  }
0x93: {  	_ =	strace s4  }
0x94: {  	s4 =	sld [smem:$0x3FFC];
	_ =	sdelay $0x3  }
0x95: {  	_ =	strace s4  }
0x96: {  	s4 =	sld [smem:$0x3FFD];
	_ =	sdelay $0x3  }
0x97: {  	_ =	strace s4  }
0x98: {  	_ =	strace $0x8FFFFFFF  }
0x99: {  	s20 =	sld [smem:$0x3FDB];
	_ =	sdelay $0x1  }
0x9a: {  	s5 =	simm.s32 $_scs_section_size  }
0x9b: {  	s6 =	simm.s32 $_size__tile_overlayer_lowered;
	s7 =	simm.s32 $_tile_overlayer_lowered  }
0x9c: {  	s23 =	simm.s32 $0x1BFF;
	s22 =	sshll.u32 s7, $0x1;
	s4 =	sadd.s32 s5, s20  }
0x9d: {  	s8 =	simm.s32 $0x0;
	s21 =	sshll.u32 s6, $0x1;
	s6 =	sadd.s32 s22, s4  }
0x9e: {  	[timem:s8], [sflag:s23] =	dma.local [hbm:s6], s21  }
0x9f: {  	_ =	swait.ge [sflag:s23], s21  }
0xa0: {  	s5 =	ssub.s32 $0x0, s21;
	[sflag:s23] =	ssyncset.done $0x0  }
0xa1: {  	[sflag:s23] =	ssyncadd.s32 s5;
	_ =	sdelay $0x1  }
0xa2: {  	s24 =	simm.s32 $0x1B8B  }
0xa3: {  	_ =	swait.ge [sflag:s24], $0x1  }
0xa4: {  	[sflag:s24] =	ssyncset.done $0x0  }
0xa5: {  	s25 =	simm.s32 $0x1B8E;
	[sflag:s24] =	ssyncadd.s32 $0xFFFFFFFF  }
0xa6: {  	s26 =	simm.s32 $execute0_lowered;
	[smem:$0x3FD2] =	sst s25  }
0xa7: {  	s5 =	sshll.u32 s26, $0x1;
	_ =	strace $0x80000046;
	[dreg:$0x1] =	wrdreg $0xFFFFFFFF  }
0xa8: {  	s28 =	simm.s32 $_size_execute0_lowered;
	s4 =	sadd.s32 s4, s5;
	[dreg:$0x0] =	wrdreg $0x0  }
0xa9: {  	s5 =	sshll.u32 s28, $0x1;
	[dreg:$0x2] =	wrdreg s4  }
0xaa: {  	[dreg:$0x3] =	wrdreg s5  }
0xab: {  	[dreg:$0x4] =	wrdreg $0xC0  }
0xac: {  	_ =	task [dreg:s8], $0x5FFFF  }
0xad: {  	[dreg:$0x1] =	wrdreg $0xFFFFFFFF  }
0xae: {  	[dreg:$0x0] =	wrdreg $0x60  }
0xaf: {  	[dreg:$0x2] =	wrdreg s2  }
0xb0: {  	[dreg:$0x3] =	wrdreg s19  }
0xb1: {  	[dreg:$0x4] =	wrdreg $0x9  }
0xb2: {  	_ =	task.clear_ibuf [dreg:s8], $0x5FFFF;
	_ =	strace $0x90000046  }
0xb3: {  	s29 =	simm.s32 $0x9;
	_ =	strace $0x8000004F  }
0xb4: {  	_ =	swait.ge [sflag:s29], $0x1  }
0xb5: {  	[sflag:s29] =	ssyncadd.s32 $0xFFFFFFFF  }
0xb6: {  	_ =	strace $0x9000004F  }
0xb7: {  	_ =	sfence  }
0xb8: {  	s30 =	sld [smem:$0x0];
	_ =	sdelay $0x2  }
0xb9: {  	s31 =	sshll.u32 s1, $0xD;
	s1 =	sshrl.u32 s1, $0x2  }
0xba: {  	s3 =	sand.u32 $0x4000, s31;
	s1 =	sadd.s32 s1, s30  }
0xbb: {  	s0 =	sor.u32 s3, s0;
	s1 =	sshll.u32 s1, $0x11  }
0xbc: {  	s0 =	sor.u32 s1, s0  }
0xbd: {  	s0 =	sadd.s32 $0x8F2B, s0  }
0xbe: {  	[sflag:s0] =	ssyncadd.remote.s32 $0x1  }
0xbf: {  	_ =	sfence.sel $0xFFFF  }
0xc0: {  	[dreg:$0x0] =	wrdreg $0xFFFFFFFF;
	(pc) =	sbr.abs _section_cstart, $3  }
0xc1: {  	[dreg:$0x1] =	wrdreg $0xFFFFFFFF  }
0xc2: {  	_ =	task.clear_ibuf [dreg:s8], $0x2FFFF;
	_ =	strace $0x9FFFFFFF  }
0xc3: {  	(tm) =	ssettm $0x7FFFFFFF  }
tec
execute0_lowered:
.L_overlay_start_1:
0x0: {  	(tag) =	ssettag $0x1  }
0x1: {  	s0 =	srdreg.scid  }
0x2: {  	s4 =	rddreg [dreg:$0x0];
	s3 =	simm.s32 $0x0;
	s0 =	sand.u32 $0x1, s0  }
0x3: {  	s2 =	stileid.u32;
	[smem:$0x7FF] =	sst s3;
	s1 =	sshll.u32 s0, $0x4  }
0x4: {  	s0 =	ssub.s32 $0x2, s0;
	_ =	strace $0x80000047;
	s1 =	sor.u32 s2, s1  }
0x5: {  	s28 =	sshrl.u32 s0, $0x1;
	s29 =	sshll.u32 s1, $0xA;
	s1 =	sshll.u32 s1, $0x1  }
0x6: {  	s0 =	ssub.s32 s0, s28;
	[dreg:$0x4] =	wrdreg s1;
	s30 =	sadd.s32 s4, s29  }
0x7: {  	s0 =	smax.u32 s0, $0x1;
	[dreg:$0x5] =	wrdreg s30  }
0x8: {  	v0 =	vimm.s32 $0x0;
	s31 =	simm.s32 $0x0;
	s1 =	simm.s32 $0x0;
	[dreg:$0x6] =	wrdreg s0  }
.LBB2_1:
0x9: {  	[dreg:$0x7] =	wrdreg s1;
	s0 =	simm.s32 $0x0;
	s8 =	simm.s32 $0x0  }
0xa: {  	s3 =	simm.s32 $0x0;
	s6 =	simm.s32 $0x0;
	_ =	strace $0x80000048  }
0xb: {  	s7 =	simm.s32 $0x0;
	s4 =	simm.s32 $0x1;
	s30 =	rddreg [dreg:$0x5]  }
0xc: {  	[tilespmem:s0], [sflag:$0x1] =	stream.linear.gather [hbm4b:s30+s0], $0x1000, $0x200038;
	[tilespmem:$0x16000] =	vst v63  }
0xd: {  	s5 =	simm.s32 $0x0;
	s0 =	simm.s32 $0x0;
	_ =	strace $0x90000048  }
.LBB2_2:
0xe: {  	s2 =	sadd.s32 $0x1, s0  }
0xf: {  	s1 =	simm.s32 $0x1;
	p0 =	seq.s32 s2, $0x2  }
0x10: {  	s1 =	simm.s32 @!p0 $0x0  }
0x11: {  	[dreg:$0x9] =	wrdreg s3;
	s3 =	sadd.s32 s1, s8  }
0x12: {  	p1 =	seq.s32 s3, $0x10  }
0x13: {  	s2 =	simm.s32 @p0 $0x0;
	s3 =	simm.s32 @p1 $0x0  }
0x14: {  	[dreg:$0xf] =	wrdreg s8;
	p5 =	sne.s32 s0, s2;
	p4 =	sne.s32 s8, s3  }
0x15: {  	[dreg:$0xd] =	wrdreg s5;
	p6 =	sne.s32 s5, $0x1F;
	p1 =	por p5, p4  }
0x16: {  	s5 =	rddreg [dreg:$0x4];
	p0 =	por !p6, !p1  }
0x17: {  	[dreg:$0xc] =	wrdreg s4;
	p0 =	por !p0, !p0  }
0x18: {  	[dreg:$0x8] =	wrdreg s2;
	s1 =	sadd.s32 @p0 s5, s2  }
0x19: {  	[dreg:$0xe] =	wrdreg s3;
	s2 =	sshll.u32 @p0 s3, $0x12;
	s1 =	sshll.u32 @p0 s1, $0xC  }
0x1a: {  	_ =	strace @p0 $0x80000049;
	s1 =	sadd.s32 @p0 s1, s2;
	s2 =	sand.u32 @p0 $0x1, s4  }
0x1b: {  	s4 =	rddreg [dreg:$0x0];
	s3 =	sshll.u32 @p0 s2, $0xC;
	s1 =	sshrl.u32 @p0 s1, $0x3  }
0x1c: {  	s2 =	sadd.s32 @p0 $0x1, s2;
	s1 =	sadd.s32 @p0 s4, s1;
	s4 =	simm.s32 @p0 $0x0  }
0x1d: {  	[tilespmem:s3], [sflag:s2] =	stream.linear.gather @p0 [hbm4b:s1+s4], $0x1000, $0x200038;
	[tilespmem:$0x16000] =	vst v63  }
0x1e: {  	s16 =	sand.u32 $0x1, s7;
	s17 =	sand.u32 $0x1, s6;
	_ =	strace @p0 $0x90000049  }
0x1f: {  	s20 =	sshll.u32 s7, $0xC;
	s1 =	sadd.s32 $0x1, s16;
	_ =	strace $0x8000004A  }
0x20: {  	s18 =	smul.u32 $0x28000, s17;
	_ =	swait.ge [sflag:s1], $0x1000;
	[dreg:$0xa] =	wrdreg s6  }
0x21: {  	s19 =	sadd.s32 s5, s0;
	[dreg:$0x10] =	wrdreg s17;
	[sflag:s1] =	ssyncset.done $0x0  }
0x22: {  	[dreg:$0x12] =	wrdreg s19;
	[sflag:s1] =	ssyncadd.s32 $0xFFFFF000;
	s1 =	sshrl.u32 s18, $0x2  }
0x23: {  	_ =	strace $0x9000004A;
	[dreg:$0xb] =	wrdreg s7;
	s22 =	sadd.s32 $0x3000, s1  }
0x24: {  	s23 =	sadd.s32 $0x4000, s1;
	_ =	strace $0x8000004B;
	[dreg:$0x13] =	wrdreg s22  }
0x25: {  	s0 =	sand.u32 $0x1000, s20;
	s24 =	sadd.s32 $0x5000, s1;
	[dreg:$0x14] =	wrdreg s23  }
0x26: {  	v1 =	vmov s0;
	s0 =	simm.s32 $0x0;
	s25 =	sadd.s32 $0x6000, s1;
	[dreg:$0x15] =	wrdreg s24  }
0x27: {  	s21 =	sadd.s32 $0x2000, s1;
	s26 =	sadd.s32 $0x7000, s1;
	[dreg:$0x16] =	wrdreg s25  }
0x28: {  	s28 =	sadd.s32 $0x9000, s1;
	s29 =	sadd.s32 $0xA000, s1;
	[dreg:$0x17] =	wrdreg s26  }
0x29: {  	s30 =	sadd.s32 $0xB000, s1;
	s26 =	sadd.s32 $0x8000, s1;
	[dreg:$0x11] =	wrdreg s21;
	v2 =	vmov s21  }
.LBB2_3:
0x2a: {  	_ = 	snop  }
0x2b: {  	s2 =	sshll.u32 s0, $0x7;
	s10 =	sand.u32 $0xC00, s31  }
0x2c: {  	s11 =	sand.u32 $0x70, s31;
	s1 =	sor.u32 s2, s10  }
0x2d: {  	s7 =	rddreg [dreg:$0x13];
	s12 =	sor.u32 s11, s1  }
0x2e: {  	s8 =	rddreg [dreg:$0x14];
	v3 =	vld.idx.msk [tilespmem:v1+s12+$0x0 ss:$0x1], $0xffff  }
0x2f: {  	s9 =	rddreg [dreg:$0x15]  }
0x30: {  	s4 =	rddreg [dreg:$0x16]  }
0x31: {  	s13 =	rddreg [dreg:$0x17];
	s15 =	simm.s32 $0x10;
	s1 =	sadd.s32 s2, s7  }
0x32: {  	s5 =	sadd.s32 s2, s8;
	s8 =	sadd.s32 s2, s13;
	[dreg:$0x3] =	wrdreg s1  }
0x33: {  	s6 =	sadd.s32 s2, s28;
	s7 =	sadd.s32 s2, s26;
	s3 =	rddreg [dreg:$0x3];
	vm0 =	veq.s32 v3, $0x0  }
0x34: {  	s16 =	sadd.s32 s10, s5;
	s18 =	sadd.s32 s10, s8;
	s14 =	sadd.s32 s10, s3;
	vm1 =	veq.s32 v3, $0x1;
	v4 =	vsel vm0, $0x1, v0  }
0x35: {  	s20 =	sadd.s32 s10, s6;
	s1 =	sadd.s32 s2, s9;
	s14 =	sadd.s32 s11, s14;
	vm8 =	veq.s32 v3, $0x2;
	[tilespmem:v2+s12+$0x0 ss:$0x1] =	vst.idx.msk $0xffff, v4;
	v4 =	vsel vm1, $0x1, v0  }
0x36: {  	s9 =	sadd.s32 s2, s4;
	s16 =	sadd.s32 s11, s16;
	s17 =	sadd.s32 s10, s1;
	vm9 =	veq.s32 v3, $0x3;
	[tilespmem:s14+$0x0] =	vst v4;
	v4 =	vsel vm8, $0x1, v0  }
0x37: {  	s4 =	sadd.s32 s2, s29;
	s19 =	sadd.s32 s10, s9;
	s21 =	sadd.s32 s11, s17;
	vm10 =	veq.s32 v3, $0x4;
	[tilespmem:s16+$0x0] =	vst v4;
	v4 =	vsel vm9, $0x1, v0  }
0x38: {  	s22 =	sadd.s32 s10, s7;
	s18 =	sadd.s32 s11, s18;
	vm11 =	veq.s32 v3, $0x5;
	s16 =	sadd.s32 s11, s19;
	[tilespmem:s21+$0x0] =	vst v4;
	v4 =	vsel vm10, $0x1, v0  }
0x39: {  	s24 =	sadd.s32 s11, s20;
	s20 =	sand.u32 $0x70, s15;
	s23 =	sadd.s32 s10, s4;
	vm12 =	veq.s32 v3, $0x6;
	[tilespmem:s16+$0x0] =	vst v4;
	v4 =	vsel vm11, $0x1, v0  }
0x3a: {  	s13 =	rddreg [dreg:$0x3];
	s3 =	sadd.s32 s2, s30;
	s17 =	sadd.s32 s11, s22;
	vm13 =	veq.s32 v3, $0x7;
	[tilespmem:s18+$0x0] =	vst v4;
	v4 =	vsel vm12, $0x1, v0  }
0x3b: {  	s25 =	sadd.s32 s11, s23;
	s10 =	sadd.s32 s10, s3;
	vm14 =	veq.s32 v3, $0x8;
	s18 =	simm.s32 $0x80;
	[tilespmem:s17+$0x0] =	vst v4;
	v4 =	vsel vm13, $0x1, v0  }
0x3c: {  	vm15 =	veq.s32 v3, $0x9;
	v3 =	vsel vm14, $0x1, v0;
	s12 =	simm.s32 $0x20;
	s19 =	sadd.s32 s11, s10;
	s17 =	sand.u32 $0xC00, s18;
	[tilespmem:s24+$0x0] =	vst v4  }
0x3d: {  	s11 =	sor.u32 s2, s17;
	s14 =	sadd.s32 s17, s13;
	s10 =	sadd.s32 s17, s5;
	[tilespmem:s25+$0x0] =	vst v3;
	v3 =	vsel vm15, $0x1, v0  }
.LBB2_4:
0x3e: {  	s13 =	sor.u32 s20, s11;
	[tilespmem:s19+$0x0] =	vst v3  }
0x3f: {  	v3 =	vld.idx.msk [tilespmem:v1+s13+$0x0 ss:$0x1], $0xffff;
	_ =	sdelay $0x4  }
0x40: {  	vm0 =	veq.s32 v3, $0x0  }
0x41: {  	s15 =	sadd.s32 s17, s1;
	vm1 =	veq.s32 v3, $0x1;
	v4 =	vsel vm0, $0x1, v0  }
0x42: {  	s21 =	sadd.s32 s17, s9;
	s11 =	smov.u32 s12;
	s14 =	sadd.s32 s20, s14;
	vm2 =	veq.s32 v3, $0x2;
	vm12 =	veq.s32 v3, $0x3;
	[tilespmem:v2+s13+$0x0 ss:$0x1] =	vst.idx.msk $0xffff, v4;
	v4 =	vsel vm1, $0x1, v0  }
0x43: {  	s22 =	sadd.s32 s17, s8;
	s23 =	sadd.s32 s17, s7;
	s10 =	sadd.s32 s20, s10;
	vm3 =	veq.s32 v3, $0x4;
	vm13 =	veq.s32 v3, $0x5;
	[tilespmem:s14+$0x0] =	vst v4;
	v4 =	vsel vm2, $0x1, v0  }
0x44: {  	s24 =	sadd.s32 s17, s6;
	s25 =	sadd.s32 s17, s4;
	s15 =	sadd.s32 s20, s15;
	vm4 =	veq.s32 v3, $0x6;
	vm14 =	veq.s32 v3, $0x7;
	[tilespmem:s10+$0x0] =	vst v4;
	v4 =	vsel vm12, $0x1, v0  }
0x45: {  	s19 =	sadd.s32 s17, s3;
	p2 =	sne.s32 s12, $0x1F0;
	s17 =	sadd.s32 s20, s21;
	vm5 =	veq.s32 v3, $0x8;
	vm15 =	veq.s32 v3, $0x9;
	v3 =	vsel vm3, $0x1, v0;
	[tilespmem:s15+$0x0] =	vst v4  }
.Ltmp0:
0x46: {  	s16 =	sadd.s32 $0x10, s12;
	s21 =	sadd.s32 s20, s22;
	[tilespmem:s17+$0x0] =	vst v3;
	v3 =	vsel vm13, $0x1, v0;
	(pc) =	sbr.rel @p2 .LBB2_4-.Ltmp0, $4  }
0x47: {  	s18 =	sadd.s32 $0x80, s18;
	s19 =	sadd.s32 s20, s19;
	s23 =	sadd.s32 s20, s23;
	[tilespmem:s21+$0x0] =	vst v3;
	v3 =	vsel vm4, $0x1, v0  }
0x48: {  	s22 =	rddreg [dreg:$0x3];
	s24 =	sadd.s32 s20, s24;
	s25 =	sadd.s32 s20, s25;
	[tilespmem:s23+$0x0] =	vst v3;
	v3 =	vsel vm14, $0x1, v0  }
0x49: {  	s20 =	sand.u32 $0x70, s11;
	s12 =	smov.u32 s16;
	s17 =	sand.u32 $0xC00, s18;
	[tilespmem:s24+$0x0] =	vst v3;
	v3 =	vsel vm5, $0x1, v0  }
0x4a: {  	s11 =	sor.u32 s2, s17;
	s14 =	sadd.s32 s17, s22;
	s10 =	sadd.s32 s17, s5;
	[tilespmem:s25+$0x0] =	vst v3;
	v3 =	vsel vm15, $0x1, v0  }
0x4b: {  	_ =	sdelay $0x2  }
0x4c: {  	s2 =	sor.u32 s20, s11;
	[tilespmem:s19+$0x0] =	vst v3  }
0x4d: {  	v3 =	vld.idx.msk [tilespmem:v1+s2+$0x0 ss:$0x1], $0xffff;
	_ =	sdelay $0x4  }
0x4e: {  	vm0 =	veq.s32 v3, $0x0  }
0x4f: {  	vm1 =	veq.s32 v3, $0x1;
	v4 =	vsel vm0, $0x1, v0  }
0x50: {  	s13 =	sadd.s32 s20, s14;
	vm8 =	veq.s32 v3, $0x2;
	v57 =	vsel vm1, $0x1, v0;
	[tilespmem:v2+s2+$0x0 ss:$0x1] =	vst.idx.msk $0xffff, v4  }
0x51: {  	s1 =	sadd.s32 s17, s1;
	s14 =	sadd.s32 s20, s10;
	vm9 =	veq.s32 v3, $0x3;
	v58 =	vsel vm8, $0x1, v0;
	[tilespmem:s13+$0x0] =	vst v57  }
0x52: {  	s5 =	sadd.s32 s17, s9;
	s1 =	sadd.s32 s20, s1;
	vm10 =	veq.s32 v3, $0x4;
	v59 =	vsel vm9, $0x1, v0;
	[tilespmem:s14+$0x0] =	vst v58  }
0x53: {  	s15 =	sadd.s32 s17, s8;
	s0 =	sadd.s32 $0x1, s0;
	s16 =	sadd.s32 s20, s5;
	vm11 =	veq.s32 v3, $0x5;
	v60 =	vsel vm10, $0x1, v0;
	[tilespmem:s1+$0x0] =	vst v59  }
0x54: {  	s18 =	sadd.s32 s17, s7;
	s19 =	sadd.s32 s20, s15;
	p2 =	sne.s32 s0, $0x8;
	vm12 =	veq.s32 v3, $0x6;
	v61 =	vsel vm11, $0x1, v0;
	[tilespmem:s16+$0x0] =	vst v60  }
.Ltmp1:
0x55: {  	s21 =	sadd.s32 s17, s6;
	s22 =	sadd.s32 s20, s18;
	vm13 =	veq.s32 v3, $0x7;
	v62 =	vsel vm12, $0x1, v0;
	[tilespmem:s19+$0x0] =	vst v61;
	(pc) =	sbr.rel @p2 .LBB2_3-.Ltmp1, $4  }
0x56: {  	s4 =	sadd.s32 s17, s4;
	s23 =	sadd.s32 s20, s21;
	vm14 =	veq.s32 v3, $0x8;
	v63 =	vsel vm13, $0x1, v0;
	[tilespmem:s22+$0x0] =	vst v62  }
0x57: {  	s24 =	sadd.s32 s17, s3;
	s25 =	sadd.s32 s20, s4;
	vm15 =	veq.s32 v3, $0x9;
	v3 =	vsel vm14, $0x1, v0;
	[tilespmem:s23+$0x0] =	vst v63  }
0x58: {  	s2 =	sadd.s32 s20, s24;
	[tilespmem:s25+$0x0] =	vst v3;
	v3 =	vsel vm15, $0x1, v0  }
0x59: {  	[tilespmem:s2+$0x0] =	vst v3  }
0x5a: {  	s5 =	rddreg [dreg:$0xd]  }
0x5b: {  	s0 =	rddreg [dreg:$0xf];
	p2 =	seq.s32 s5, $0x1F  }
0x5c: {  	s1 =	rddreg [dreg:$0x12];
	_ =	strace $0x9000004B;
	p1 =	por p2, p1  }
0x5d: {  	s0 =	smul.u32 @p1 $0x280000, s0;
	_ =	strace @p1 $0x8000004C  }
0x5e: {  	s1 =	sshll.u32 @p1 s1, $0xC;
	s2 =	rddreg [dreg:$0x1]  }
0x5f: {  	s4 =	rddreg [dreg:$0x11];
	s0 =	sadd.s32 @p1 s0, s1  }
0x60: {  	s3 =	simm.s32 @p1 $0x40000;
	s1 =	rddreg [dreg:$0x10];
	s0 =	sshrl.u32 @p1 s0, $0x3  }
0x61: {  	s1 =	sadd.s32 @p1 $0x3, s1;
	s0 =	sadd.s32 @p1 s2, s0;
	s2 =	simm.s32 @p1 $0x1000  }
0x62: {  	[hbm4b:s0+s2] =	stream.strided.scatter @p1 [tilespmem:s4], [sflag:s1], $0xA000, s3, s2, $0x200038;
	[tilespmem:$0x16000] =	vst v63  }
0x63: {  	s30 =	rddreg [dreg:$0xc];
	s0 =	simm.s32 $0x1  }
0x64: {  	s2 =	simm.s32 $0x1;
	s0 =	simm.s32 @!p0 $0x0;
	_ =	strace @p1 $0x9000004C  }
0x65: {  	p0 =	seq.s32 s5, $0x0;
	s4 =	sadd.s32 s0, s30;
	s3 =	rddreg [dreg:$0x9]  }
0x66: {  	s0 =	simm.s32 $0x1;
	_ =	strace @!p0 $0x8000004D;
	s1 =	sand.u32 @!p0 $0x1, s3  }
0x67: {  	s0 =	simm.s32 @!p1 $0x0;
	s6 =	rddreg [dreg:$0xa];
	s1 =	sadd.s32 @!p0 $0x3, s1  }
0x68: {  	p1 =	sne.s32 s5, $0x0;
	s5 =	sadd.s32 $0x1, s5;
	_ =	swait.ge @!p0 [sflag:s1], $0xA000  }
0x69: {  	s2 =	simm.s32 @!p1 $0x0;
	p1 =	sne.s32 s5, $0x20;
	[sflag:s1] =	ssyncset.done @!p0 $0x0  }
.Ltmp2:
0x6a: {  	[sflag:s1] =	ssyncadd.s32 @!p0 $0xFFFF6000;
	(pc) =	sbr.rel @p1 .LBB2_2-.Ltmp2, $4  }
0x6b: {  	_ =	strace @!p0 $0x9000004D  }
0x6c: {  	s7 =	rddreg [dreg:$0xb]  }
0x6d: {  	s6 =	sadd.s32 s0, s6;
	s8 =	rddreg [dreg:$0xe]  }
0x6e: {  	s3 =	sadd.s32 s2, s3;
	s7 =	sadd.s32 s0, s7;
	s0 =	rddreg [dreg:$0x8]  }
0x6f: {  	_ =	strace $0x8000004E;
	s0 =	simm.s32 $0x4  }
0x70: {  	_ =	swait.ge [sflag:s0], $0xA000  }
0x71: {  	s1 =	rddreg [dreg:$0x7]  }
0x72: {  	s30 =	rddreg [dreg:$0x6];
	s1 =	sadd.s32 $0x1, s1  }
0x73: {  	p0 =	sne.s32 s1, s30  }
.Ltmp3:
0x74: {  	_ = 	snop;
	(pc) =	sbr.rel @p0 .LBB2_1-.Ltmp3, $4  }
0x75: {  	_ = 	snop  }
0x76: {  	[sflag:s0] =	ssyncset.done $0x0  }
0x77: {  	[sflag:s0] =	ssyncadd.s32 $0xFFFF6000  }
0x78: {  	_ =	strace $0x9000004E  }
0x79: {  	_ =	sfence.sel $0x180000  }
0x7a: {  	[bflag:$0x0] =	sbarrier.arrive $0xFFFF  }
0x7b: {  	_ =	strace $0x90000047  }
0x7c: {  	s0 =	stileid.u32;
	[bflag:$0x2] =	sbarrier.arrive $0xFFFF  }
0x7d: {  	p0 =	sne.s32 s0, $0x0;
	s0 =	rddreg [dreg:$0x2]  }
0x7e: {  	s0 =	sadd.s32 @!p0 $0x100000, s0  }
0x7f: {  	[sflag:s0] =	ssyncadd.tile.s32 @!p0 $0x1;
	_ =	shalt  }
.Lfunc_end2:
_tile_overlayer_lowered:
.L_overlay_start_2:
0x80: {  	(tag) =	ssettag $0x2  }
0x81: {  	s0 =	rddreg [dreg:$0x0];
	s2 =	stileid.u32  }
0x82: {  	s1 =	rddreg [dreg:$0x1];
	p0 =	sne.s32 s2, $0x0  }
0x83: {  	s3 =	rddreg [dreg:$0x2];
	[bflag:$0x3] =	sbarrier.arrive $0xFFFF;
	s2 =	simm.s32 @!p0 $0x1C01  }
0x84: {  	[timem:s3], [sflag:s2] =	dma.local @!p0 [hbm:s0], s1  }
0x85: {  	s0 =	simm.s32 @!p0 $0x1  }
0x86: {  	_ =	swait.ge @!p0 [sflag:s0], s1  }
0x87: {  	s1 =	ssub.s32 @!p0 $0x0, s1;
	[sflag:s0] =	ssyncset.done @!p0 $0x0  }
0x88: {  	[sflag:s0] =	ssyncadd.s32 @!p0 s1  }
0x89: {  	[bflag:$0x3] =	sbarrier.arrive $0xFFFF  }
0x8a: {  	_ =	shalt  }

</sc_bundles>
